<compile_context>
chip_gen: v7x
topology: tpu7x:2x2x1
jax: 0.10.2.dev20260603
libtpu: 0.0.44.dev20260713+nightly
codegen_flags: <defaults>
</compile_context>

<pallas_src>
import functools

import jax
import jax.numpy as jnp
from jax import lax
from jax.experimental import pallas as pl
from jax.experimental.pallas import tpu as pltpu
from jax.experimental.pallas import tpu_sc as plsc

_NF = 26
_V = 100000
_E = 32
_B = 16384
_CHUNK = 4096
_NCHUNK = _B // _CHUNK
_UNROLL = 8


def _make_kernel():
  mesh = plsc.VectorSubcoreMesh(core_axis_name="c", subcore_axis_name="s")

  @functools.partial(
      pl.kernel,
      mesh=mesh,
      compiler_params=pltpu.CompilerParams(
          use_tc_tiling_on_sc=True, needs_layout_passes=False),
      out_type=jax.ShapeDtypeStruct((_NF * _E, _B), jnp.float32),
      scratch_types=[
          pltpu.VMEM((_V,), jnp.float32),
          pltpu.VMEM((_NCHUNK, _CHUNK), jnp.int32),
          pltpu.VMEM((2, _CHUNK), jnp.float32),
          pltpu.SemaphoreType.DMA,
          pltpu.SemaphoreType.DMA,
          pltpu.SemaphoreType.DMA,
          pltpu.SemaphoreType.DMA,
          pltpu.SemaphoreType.DMA,
          pltpu.SemaphoreType.DMA,
          pltpu.SemaphoreType.DMA,
      ],
  )
  def emb_gather(cat_hbm, tab_hbm, out_hbm,
                 row_v, cat_r, out_v, sem_r, sc0, sc1, sc2, sc3, so0, so1):
    sem_c = (sc0, sc1, sc2, sc3)
    sem_o = (so0, so1)
    w = lax.axis_index("s") * 2 + lax.axis_index("c")

    def fire_row(f):
      pltpu.async_copy(tab_hbm.at[f, w], row_v, sem_r)

    def fire_cat(f, k):
      pltpu.async_copy(
          cat_hbm.at[f, pl.ds(k * _CHUNK, _CHUNK)], cat_r.at[k], sem_c[k])

    def wait_cat(f, k):
      pltpu.make_async_copy(
          cat_hbm.at[f, pl.ds(k * _CHUNK, _CHUNK)], cat_r.at[k],
          sem_c[k]).wait()

    def field(f, first, last):
      pltpu.make_async_copy(tab_hbm.at[f, w], row_v, sem_r).wait()
      c = f * _E + w
      for k in range(_NCHUNK):
        buf = k % 2
        dst = out_hbm.at[c, pl.ds(k * _CHUNK, _CHUNK)]
        wait_cat(f, k)
        if k >= 2 or not first:
          pltpu.make_async_copy(out_v.at[buf], dst, sem_o[buf]).wait()

        @plsc.parallel_loop(0, _CHUNK, 16, unroll=_UNROLL)
        def gath(q, _k=k, _buf=buf):
          idx16 = cat_r[_k, pl.ds(q, 16)]
          out_v[_buf, pl.ds(q, 16)] = plsc.load_gather(row_v, [idx16])
        pltpu.async_copy(out_v.at[buf], dst, sem_o[buf])

        if not last:
          if k < 2:
            fire_cat(f, k + 2)
          else:
            fire_cat(f + 1, k - 2)
        elif k < 2:
          fire_cat(f, k + 2)

    fire_row(0)
    fire_cat(0, 0)
    fire_cat(0, 1)
    field(0, first=True, last=False)

    def field_body(f, carry):
      fire_row(f)
      field(f, first=False, last=False)
      return carry

    lax.fori_loop(1, _NF - 1, field_body, 0)

    fire_row(_NF - 1)
    field(_NF - 1, first=False, last=True)

    for buf in range(2):
      k = _NCHUNK - 2 + buf
      dst = out_hbm.at[(_NF - 1) * _E + w, pl.ds(k * _CHUNK, _CHUNK)]
      pltpu.make_async_copy(out_v.at[buf], dst, sem_o[buf]).wait()

  return emb_gather


_EMB_GATHER = _make_kernel()


def kernel(cat_data, tables):
  tab_t = jnp.transpose(tables, (0, 2, 1))
  cat_t = cat_data.astype(jnp.int32).T
  out_t = _EMB_GATHER(cat_t, tab_t)
  return out_t.T

# --- scband reference (transcript-rebuilt; emitter-appended) ---
"""Pipeline reference for scband-categorical-embedding-13477607375075 (READ-ONLY COPY).

The authoritative reference and input builder live on the scoring server;
editing this copy changes nothing except your own understanding.
"""

import jax, jax.numpy as jnp
import numpy as np

NUM_FIELDS = 26
VOCAB = 100000
EMB_DIM = 32
BATCH = 16384


def setup_inputs(seed: int = 0) -> dict:
    key = jax.random.key(seed)
    k1, k2 = jax.random.split(key)
    cat_data = jax.random.randint(k1, (BATCH, NUM_FIELDS), 0, VOCAB, dtype=jnp.int32)
    # One embedding table per categorical field, stacked: [NUM_FIELDS, VOCAB, EMB_DIM]
    tables = jax.random.normal(k2, (NUM_FIELDS, VOCAB, EMB_DIM), dtype=jnp.float32) * 0.02
    return {"cat_data": cat_data, "tables": tables}


def reference(cat_data, tables):
    # Faithful translation of CategoricalEmbedding.forward:
    #   cat_inp = [emb_layer(cat_data[..., i]) for i, emb_layer in enumerate(self.emb_layers)]
    #   cat_inp = torch.cat(cat_inp, -1)
    # Dropout p=0.0 is the identity, so it is omitted.
    cat_data = cat_data.astype(jnp.int32)
    embs = [jnp.take(tables[i], cat_data[..., i], axis=0) for i in range(NUM_FIELDS)]
    out = jnp.concatenate(embs, axis=-1)
    return out

if __name__ == "__main__":
    import jax
    _d = setup_inputs()
    print(jax.jit(kernel)(*tuple(_d.values())))

</pallas_src>

<mosaic_0001>
#map = affine_map<(d0, d1) -> (0, 0)>
#map1 = affine_map<(d0, d1) -> (0, 0, 0)>
module attributes {stable_mosaic.version = 14 : i64} {
  func.func @emb_gather(%arg0: i32, %arg1: i32, %arg2: memref<26x16384xi32, #tpu.memory_space<hbm>>, %arg3: memref<26x32x100000xf32, #tpu.memory_space<hbm>>, %arg4: memref<832x16384xf32, #tpu.memory_space<hbm>>, %arg5: memref<100000xf32, #tpu.memory_space<vmem>>, %arg6: memref<4x4096xi32, #tpu.memory_space<vmem>>, %arg7: memref<2x4096xf32, #tpu.memory_space<vmem>>, %arg8: memref<!tpu.dma_semaphore, #tpu.memory_space<semaphore_mem>>, %arg9: memref<!tpu.dma_semaphore, #tpu.memory_space<semaphore_mem>>, %arg10: memref<!tpu.dma_semaphore, #tpu.memory_space<semaphore_mem>>, %arg11: memref<!tpu.dma_semaphore, #tpu.memory_space<semaphore_mem>>, %arg12: memref<!tpu.dma_semaphore, #tpu.memory_space<semaphore_mem>>, %arg13: memref<!tpu.dma_semaphore, #tpu.memory_space<semaphore_mem>>, %arg14: memref<!tpu.dma_semaphore, #tpu.memory_space<semaphore_mem>>) attributes {dimension_semantics = [#tpu.dimension_semantics<core_parallel>, #tpu.dimension_semantics<subcore_parallel>], iteration_bounds = array<i64: 2, 16>, scalar_prefetch = 0 : i64, scratch_operands = 10 : i64, tpu.core_type = #tpu.core_type<sc_vector_subcore>, window_params = [{transform_indices = #map}, {transform_indices = #map1}, {transform_indices = #map}]} {
    %mul3A = arith.constant 2 : i32
    %mul3A_0 = arith.muli %arg1, %mul3A : i32
    %add3A = arith.addi %mul3A_0, %arg0 : i32
    %dma_start3A = arith.constant 0 : i32
    %dma_start3A_1 = arith.constant 0 : i32
    %dma_start3A_2 = tpu.memref_slice %arg3[%dma_start3A, %add3A, %dma_start3A_1] : memref<26x32x100000xf32, #tpu.memory_space<hbm>> -> memref<1x1x100000xf32, #tpu.memory_space<hbm>>
    %dma_start3A_3 = tpu.memref_squeeze %dma_start3A_2 : memref<1x1x100000xf32, #tpu.memory_space<hbm>> -> memref<100000xf32, #tpu.memory_space<hbm>>
    %dma_start3A_4 = arith.constant 0 : i32
    %dma_start3A_5 = tpu.memref_slice %arg3[%dma_start3A, %add3A, %dma_start3A_4] : memref<26x32x100000xf32, #tpu.memory_space<hbm>> -> memref<1x1x100000xf32, #tpu.memory_space<hbm>>
    %dma_start3A_6 = tpu.memref_squeeze %dma_start3A_5 : memref<1x1x100000xf32, #tpu.memory_space<hbm>> -> memref<100000xf32, #tpu.memory_space<hbm>>
    tpu.enqueue_dma source(%dma_start3A_6 : memref<100000xf32, #tpu.memory_space<hbm>>) target(%arg5 : memref<100000xf32, #tpu.memory_space<vmem>>) target_semaphore(%arg8 : memref<!tpu.dma_semaphore, #tpu.memory_space<semaphore_mem>>)
    %dma_start3A_7 = arith.constant 0 : i32
    %dma_start3A_8 = arith.constant 0 : i32
    %dma_start3A_9 = arith.constant 0 : i32
    %dma_start3A_10 = tpu.memref_slice %arg6[%dma_start3A_8, %dma_start3A_9] : memref<4x4096xi32, #tpu.memory_space<vmem>> -> memref<1x4096xi32, #tpu.memory_space<vmem>>
    %dma_start3A_11 = tpu.memref_squeeze %dma_start3A_10 : memref<1x4096xi32, #tpu.memory_space<vmem>> -> memref<4096xi32, #tpu.memory_space<vmem>>
    %dma_start3A_12 = arith.constant 0 : i32
    %dma_start3A_13 = tpu.memref_slice %arg2[%dma_start3A_7, %dma_start3A_12] : memref<26x16384xi32, #tpu.memory_space<hbm>> -> memref<1x4096xi32, #tpu.memory_space<hbm>>
    %dma_start3A_14 = tpu.memref_squeeze %dma_start3A_13 : memref<1x4096xi32, #tpu.memory_space<hbm>> -> memref<4096xi32, #tpu.memory_space<hbm>>
    %dma_start3A_15 = arith.constant 0 : i32
    %dma_start3A_16 = tpu.memref_slice %arg6[%dma_start3A_8, %dma_start3A_15] : memref<4x4096xi32, #tpu.memory_space<vmem>> -> memref<1x4096xi32, #tpu.memory_space<vmem>>
    %dma_start3A_17 = tpu.memref_squeeze %dma_start3A_16 : memref<1x4096xi32, #tpu.memory_space<vmem>> -> memref<4096xi32, #tpu.memory_space<vmem>>
    %dma_start3A_18 = arith.constant 0 : i32
    %dma_start3A_19 = tpu.memref_slice %arg2[%dma_start3A_7, %dma_start3A_18] : memref<26x16384xi32, #tpu.memory_space<hbm>> -> memref<1x4096xi32, #tpu.memory_space<hbm>>
    %dma_start3A_20 = tpu.memref_squeeze %dma_start3A_19 : memref<1x4096xi32, #tpu.memory_space<hbm>> -> memref<4096xi32, #tpu.memory_space<hbm>>
    tpu.enqueue_dma source(%dma_start3A_20 : memref<4096xi32, #tpu.memory_space<hbm>>) target(%dma_start3A_17 : memref<4096xi32, #tpu.memory_space<vmem>>) target_semaphore(%arg9 : memref<!tpu.dma_semaphore, #tpu.memory_space<semaphore_mem>>)
    %dma_start3A_21 = arith.constant 0 : i32
    %dma_start3A_22 = arith.constant 1 : i32
    %dma_start3A_23 = arith.constant 0 : i32
    %dma_start3A_24 = tpu.memref_slice %arg6[%dma_start3A_22, %dma_start3A_23] : memref<4x4096xi32, #tpu.memory_space<vmem>> -> memref<1x4096xi32, #tpu.memory_space<vmem>>
    %dma_start3A_25 = tpu.memref_squeeze %dma_start3A_24 : memref<1x4096xi32, #tpu.memory_space<vmem>> -> memref<4096xi32, #tpu.memory_space<vmem>>
    %dma_start3A_26 = arith.constant 4096 : i32
    %dma_start3A_27 = tpu.memref_slice %arg2[%dma_start3A_21, %dma_start3A_26] : memref<26x16384xi32, #tpu.memory_space<hbm>> -> memref<1x4096xi32, #tpu.memory_space<hbm>>
    %dma_start3A_28 = tpu.memref_squeeze %dma_start3A_27 : memref<1x4096xi32, #tpu.memory_space<hbm>> -> memref<4096xi32, #tpu.memory_space<hbm>>
    %dma_start3A_29 = arith.constant 0 : i32
    %dma_start3A_30 = tpu.memref_slice %arg6[%dma_start3A_22, %dma_start3A_29] : memref<4x4096xi32, #tpu.memory_space<vmem>> -> memref<1x4096xi32, #tpu.memory_space<vmem>>
    %dma_start3A_31 = tpu.memref_squeeze %dma_start3A_30 : memref<1x4096xi32, #tpu.memory_space<vmem>> -> memref<4096xi32, #tpu.memory_space<vmem>>
    %dma_start3A_32 = arith.constant 4096 : i32
    %dma_start3A_33 = tpu.memref_slice %arg2[%dma_start3A_21, %dma_start3A_32] : memref<26x16384xi32, #tpu.memory_space<hbm>> -> memref<1x4096xi32, #tpu.memory_space<hbm>>
    %dma_start3A_34 = tpu.memref_squeeze %dma_start3A_33 : memref<1x4096xi32, #tpu.memory_space<hbm>> -> memref<4096xi32, #tpu.memory_space<hbm>>
    tpu.enqueue_dma source(%dma_start3A_34 : memref<4096xi32, #tpu.memory_space<hbm>>) target(%dma_start3A_31 : memref<4096xi32, #tpu.memory_space<vmem>>) target_semaphore(%arg10 : memref<!tpu.dma_semaphore, #tpu.memory_space<semaphore_mem>>)
    %dma_wait3A = arith.constant 0 : i32
    %dma_wait3A_35 = arith.constant 0 : i32
    %dma_wait3A_36 = tpu.memref_slice %arg3[%dma_wait3A, %add3A, %dma_wait3A_35] : memref<26x32x100000xf32, #tpu.memory_space<hbm>> -> memref<1x1x100000xf32, #tpu.memory_space<hbm>>
    %dma_wait3A_37 = tpu.memref_squeeze %dma_wait3A_36 : memref<1x1x100000xf32, #tpu.memory_space<hbm>> -> memref<100000xf32, #tpu.memory_space<hbm>>
    %dma_wait3A_38 = arith.constant 0 : i32
    %dma_wait3A_39 = tpu.memref_slice %arg3[%dma_wait3A, %add3A, %dma_wait3A_38] : memref<26x32x100000xf32, #tpu.memory_space<hbm>> -> memref<1x1x100000xf32, #tpu.memory_space<hbm>>
    %dma_wait3A_40 = tpu.memref_squeeze %dma_wait3A_39 : memref<1x1x100000xf32, #tpu.memory_space<hbm>> -> memref<100000xf32, #tpu.memory_space<hbm>>
    tpu.wait_dma2 semaphore(%arg8 : memref<!tpu.dma_semaphore, #tpu.memory_space<semaphore_mem>>) src(%dma_wait3A_40 : memref<100000xf32, #tpu.memory_space<hbm>>) dst(%arg5 : memref<100000xf32, #tpu.memory_space<vmem>>)
    %add3A_41 = arith.constant 0 : i32
    %add3A_42 = arith.addi %add3A_41, %add3A : i32
    %dma_wait3A_43 = arith.constant 0 : i32
    %dma_wait3A_44 = arith.constant 0 : i32
    %dma_wait3A_45 = arith.constant 0 : i32
    %dma_wait3A_46 = tpu.memref_slice %arg6[%dma_wait3A_44, %dma_wait3A_45] : memref<4x4096xi32, #tpu.memory_space<vmem>> -> memref<1x4096xi32, #tpu.memory_space<vmem>>
    %dma_wait3A_47 = tpu.memref_squeeze %dma_wait3A_46 : memref<1x4096xi32, #tpu.memory_space<vmem>> -> memref<4096xi32, #tpu.memory_space<vmem>>
    %dma_wait3A_48 = arith.constant 0 : i32
    %dma_wait3A_49 = tpu.memref_slice %arg2[%dma_wait3A_43, %dma_wait3A_48] : memref<26x16384xi32, #tpu.memory_space<hbm>> -> memref<1x4096xi32, #tpu.memory_space<hbm>>
    %dma_wait3A_50 = tpu.memref_squeeze %dma_wait3A_49 : memref<1x4096xi32, #tpu.memory_space<hbm>> -> memref<4096xi32, #tpu.memory_space<hbm>>
    %dma_wait3A_51 = arith.constant 0 : i32
    %dma_wait3A_52 = tpu.memref_slice %arg6[%dma_wait3A_44, %dma_wait3A_51] : memref<4x4096xi32, #tpu.memory_space<vmem>> -> memref<1x4096xi32, #tpu.memory_space<vmem>>
    %dma_wait3A_53 = tpu.memref_squeeze %dma_wait3A_52 : memref<1x4096xi32, #tpu.memory_space<vmem>> -> memref<4096xi32, #tpu.memory_space<vmem>>
    %dma_wait3A_54 = arith.constant 0 : i32
    %dma_wait3A_55 = tpu.memref_slice %arg2[%dma_wait3A_43, %dma_wait3A_54] : memref<26x16384xi32, #tpu.memory_space<hbm>> -> memref<1x4096xi32, #tpu.memory_space<hbm>>
    %dma_wait3A_56 = tpu.memref_squeeze %dma_wait3A_55 : memref<1x4096xi32, #tpu.memory_space<hbm>> -> memref<4096xi32, #tpu.memory_space<hbm>>
    tpu.wait_dma2 semaphore(%arg9 : memref<!tpu.dma_semaphore, #tpu.memory_space<semaphore_mem>>) src(%dma_wait3A_56 : memref<4096xi32, #tpu.memory_space<hbm>>) dst(%dma_wait3A_53 : memref<4096xi32, #tpu.memory_space<vmem>>)
    %parallel_loop3A = arith.constant 0 : i32
    %parallel_loop3A_57 = arith.constant 4096 : i32
    %parallel_loop3A_58 = arith.constant 16 : i32
    scf.for %parallel_loop3A_495 = %parallel_loop3A to %parallel_loop3A_57 step %parallel_loop3A_58  : i32 {
      %parallel_loop3A_496 = arith.constant 0 : i32
      %parallel_loop3A_497 = arith.index_cast %parallel_loop3A_496 : i32 to index
      %parallel_loop3A_498 = arith.index_cast %parallel_loop3A_495 : i32 to index
      %parallel_loop3A_499 = tpu.vector_load %arg6[%parallel_loop3A_497, %parallel_loop3A_498] {strides = array<i32>} : memref<4x4096xi32, #tpu.memory_space<vmem>>, vector<16xi32>,
      %parallel_loop3A_500 = tpu.vector_load_idx %arg5[%parallel_loop3A_499] : memref<100000xf32, #tpu.memory_space<vmem>>[vector<16xi32>], vector<16xf32>,
      %parallel_loop3A_501 = arith.constant 0 : i32
      %parallel_loop3A_502 = arith.index_cast %parallel_loop3A_501 : i32 to index
      %parallel_loop3A_503 = arith.index_cast %parallel_loop3A_495 : i32 to index
      %parallel_loop3A_504 = tpu.vector_load %arg7[%parallel_loop3A_502, %parallel_loop3A_503] {strides = array<i32>} : memref<2x4096xf32, #tpu.memory_space<vmem>>, vector<16xf32>,
      tpu.vector_store %arg7[%parallel_loop3A_502, %parallel_loop3A_503], %parallel_loop3A_500 {strides = array<i32>} : memref<2x4096xf32, #tpu.memory_space<vmem>>, vector<16xf32>,
    } {sc.loop_unroll_factor = 8 : i64, sc.parallel_access}
    %dma_start3A_59 = arith.constant 0 : i32
    %dma_start3A_60 = arith.constant 0 : i32
    %dma_start3A_61 = tpu.memref_slice %arg7[%dma_start3A_59, %dma_start3A_60] : memref<2x4096xf32, #tpu.memory_space<vmem>> -> memref<1x4096xf32, #tpu.memory_space<vmem>>
    %dma_start3A_62 = tpu.memref_squeeze %dma_start3A_61 : memref<1x4096xf32, #tpu.memory_space<vmem>> -> memref<4096xf32, #tpu.memory_space<vmem>>
    %dma_start3A_63 = arith.constant 0 : i32
    %dma_start3A_64 = tpu.memref_slice %arg4[%add3A_42, %dma_start3A_63] : memref<832x16384xf32, #tpu.memory_space<hbm>> -> memref<1x4096xf32, #tpu.memory_space<hbm>>
    %dma_start3A_65 = tpu.memref_squeeze %dma_start3A_64 : memref<1x4096xf32, #tpu.memory_space<hbm>> -> memref<4096xf32, #tpu.memory_space<hbm>>
    %dma_start3A_66 = arith.constant 0 : i32
    %dma_start3A_67 = tpu.memref_slice %arg4[%add3A_42, %dma_start3A_66] : memref<832x16384xf32, #tpu.memory_space<hbm>> -> memref<1x4096xf32, #tpu.memory_space<hbm>>
    %dma_start3A_68 = tpu.memref_squeeze %dma_start3A_67 : memref<1x4096xf32, #tpu.memory_space<hbm>> -> memref<4096xf32, #tpu.memory_space<hbm>>
    %dma_start3A_69 = arith.constant 0 : i32
    %dma_start3A_70 = tpu.memref_slice %arg7[%dma_start3A_59, %dma_start3A_69] : memref<2x4096xf32, #tpu.memory_space<vmem>> -> memref<1x4096xf32, #tpu.memory_space<vmem>>
    %dma_start3A_71 = tpu.memref_squeeze %dma_start3A_70 : memref<1x4096xf32, #tpu.memory_space<vmem>> -> memref<4096xf32, #tpu.memory_space<vmem>>
    tpu.enqueue_dma source(%dma_start3A_71 : memref<4096xf32, #tpu.memory_space<vmem>>) target(%dma_start3A_68 : memref<4096xf32, #tpu.memory_space<hbm>>) target_semaphore(%arg13 : memref<!tpu.dma_semaphore, #tpu.memory_space<semaphore_mem>>)
    %dma_start3A_72 = arith.constant 0 : i32
    %dma_start3A_73 = arith.constant 2 : i32
    %dma_start3A_74 = arith.constant 0 : i32
    %dma_start3A_75 = tpu.memref_slice %arg6[%dma_start3A_73, %dma_start3A_74] : memref<4x4096xi32, #tpu.memory_space<vmem>> -> memref<1x4096xi32, #tpu.memory_space<vmem>>
    %dma_start3A_76 = tpu.memref_squeeze %dma_start3A_75 : memref<1x4096xi32, #tpu.memory_space<vmem>> -> memref<4096xi32, #tpu.memory_space<vmem>>
    %dma_start3A_77 = arith.constant 8192 : i32
    %dma_start3A_78 = tpu.memref_slice %arg2[%dma_start3A_72, %dma_start3A_77] : memref<26x16384xi32, #tpu.memory_space<hbm>> -> memref<1x4096xi32, #tpu.memory_space<hbm>>
    %dma_start3A_79 = tpu.memref_squeeze %dma_start3A_78 : memref<1x4096xi32, #tpu.memory_space<hbm>> -> memref<4096xi32, #tpu.memory_space<hbm>>
    %dma_start3A_80 = arith.constant 0 : i32
    %dma_start3A_81 = tpu.memref_slice %arg6[%dma_start3A_73, %dma_start3A_80] : memref<4x4096xi32, #tpu.memory_space<vmem>> -> memref<1x4096xi32, #tpu.memory_space<vmem>>
    %dma_start3A_82 = tpu.memref_squeeze %dma_start3A_81 : memref<1x4096xi32, #tpu.memory_space<vmem>> -> memref<4096xi32, #tpu.memory_space<vmem>>
    %dma_start3A_83 = arith.constant 8192 : i32
    %dma_start3A_84 = tpu.memref_slice %arg2[%dma_start3A_72, %dma_start3A_83] : memref<26x16384xi32, #tpu.memory_space<hbm>> -> memref<1x4096xi32, #tpu.memory_space<hbm>>
    %dma_start3A_85 = tpu.memref_squeeze %dma_start3A_84 : memref<1x4096xi32, #tpu.memory_space<hbm>> -> memref<4096xi32, #tpu.memory_space<hbm>>
    tpu.enqueue_dma source(%dma_start3A_85 : memref<4096xi32, #tpu.memory_space<hbm>>) target(%dma_start3A_82 : memref<4096xi32, #tpu.memory_space<vmem>>) target_semaphore(%arg11 : memref<!tpu.dma_semaphore, #tpu.memory_space<semaphore_mem>>)
    %dma_wait3A_86 = arith.constant 0 : i32
    %dma_wait3A_87 = arith.constant 1 : i32
    %dma_wait3A_88 = arith.constant 0 : i32
    %dma_wait3A_89 = tpu.memref_slice %arg6[%dma_wait3A_87, %dma_wait3A_88] : memref<4x4096xi32, #tpu.memory_space<vmem>> -> memref<1x4096xi32, #tpu.memory_space<vmem>>
    %dma_wait3A_90 = tpu.memref_squeeze %dma_wait3A_89 : memref<1x4096xi32, #tpu.memory_space<vmem>> -> memref<4096xi32, #tpu.memory_space<vmem>>
    %dma_wait3A_91 = arith.constant 4096 : i32
    %dma_wait3A_92 = tpu.memref_slice %arg2[%dma_wait3A_86, %dma_wait3A_91] : memref<26x16384xi32, #tpu.memory_space<hbm>> -> memref<1x4096xi32, #tpu.memory_space<hbm>>
    %dma_wait3A_93 = tpu.memref_squeeze %dma_wait3A_92 : memref<1x4096xi32, #tpu.memory_space<hbm>> -> memref<4096xi32, #tpu.memory_space<hbm>>
    %dma_wait3A_94 = arith.constant 0 : i32
    %dma_wait3A_95 = tpu.memref_slice %arg6[%dma_wait3A_87, %dma_wait3A_94] : memref<4x4096xi32, #tpu.memory_space<vmem>> -> memref<1x4096xi32, #tpu.memory_space<vmem>>
    %dma_wait3A_96 = tpu.memref_squeeze %dma_wait3A_95 : memref<1x4096xi32, #tpu.memory_space<vmem>> -> memref<4096xi32, #tpu.memory_space<vmem>>
    %dma_wait3A_97 = arith.constant 4096 : i32
    %dma_wait3A_98 = tpu.memref_slice %arg2[%dma_wait3A_86, %dma_wait3A_97] : memref<26x16384xi32, #tpu.memory_space<hbm>> -> memref<1x4096xi32, #tpu.memory_space<hbm>>
    %dma_wait3A_99 = tpu.memref_squeeze %dma_wait3A_98 : memref<1x4096xi32, #tpu.memory_space<hbm>> -> memref<4096xi32, #tpu.memory_space<hbm>>
    tpu.wait_dma2 semaphore(%arg10 : memref<!tpu.dma_semaphore, #tpu.memory_space<semaphore_mem>>) src(%dma_wait3A_99 : memref<4096xi32, #tpu.memory_space<hbm>>) dst(%dma_wait3A_96 : memref<4096xi32, #tpu.memory_space<vmem>>)
    %parallel_loop3A_100 = arith.constant 0 : i32
    %parallel_loop3A_101 = arith.constant 4096 : i32
    %parallel_loop3A_102 = arith.constant 16 : i32
    scf.for %parallel_loop3A_495 = %parallel_loop3A_100 to %parallel_loop3A_101 step %parallel_loop3A_102  : i32 {
      %parallel_loop3A_496 = arith.constant 1 : i32
      %parallel_loop3A_497 = arith.index_cast %parallel_loop3A_496 : i32 to index
      %parallel_loop3A_498 = arith.index_cast %parallel_loop3A_495 : i32 to index
      %parallel_loop3A_499 = tpu.vector_load %arg6[%parallel_loop3A_497, %parallel_loop3A_498] {strides = array<i32>} : memref<4x4096xi32, #tpu.memory_space<vmem>>, vector<16xi32>,
      %parallel_loop3A_500 = tpu.vector_load_idx %arg5[%parallel_loop3A_499] : memref<100000xf32, #tpu.memory_space<vmem>>[vector<16xi32>], vector<16xf32>,
      %parallel_loop3A_501 = arith.constant 1 : i32
      %parallel_loop3A_502 = arith.index_cast %parallel_loop3A_501 : i32 to index
      %parallel_loop3A_503 = arith.index_cast %parallel_loop3A_495 : i32 to index
      %parallel_loop3A_504 = tpu.vector_load %arg7[%parallel_loop3A_502, %parallel_loop3A_503] {strides = array<i32>} : memref<2x4096xf32, #tpu.memory_space<vmem>>, vector<16xf32>,
      tpu.vector_store %arg7[%parallel_loop3A_502, %parallel_loop3A_503], %parallel_loop3A_500 {strides = array<i32>} : memref<2x4096xf32, #tpu.memory_space<vmem>>, vector<16xf32>,
    } {sc.loop_unroll_factor = 8 : i64, sc.parallel_access}
    %dma_start3A_103 = arith.constant 1 : i32
    %dma_start3A_104 = arith.constant 0 : i32
    %dma_start3A_105 = tpu.memref_slice %arg7[%dma_start3A_103, %dma_start3A_104] : memref<2x4096xf32, #tpu.memory_space<vmem>> -> memref<1x4096xf32, #tpu.memory_space<vmem>>
    %dma_start3A_106 = tpu.memref_squeeze %dma_start3A_105 : memref<1x4096xf32, #tpu.memory_space<vmem>> -> memref<4096xf32, #tpu.memory_space<vmem>>
    %dma_start3A_107 = arith.constant 4096 : i32
    %dma_start3A_108 = tpu.memref_slice %arg4[%add3A_42, %dma_start3A_107] : memref<832x16384xf32, #tpu.memory_space<hbm>> -> memref<1x4096xf32, #tpu.memory_space<hbm>>
    %dma_start3A_109 = tpu.memref_squeeze %dma_start3A_108 : memref<1x4096xf32, #tpu.memory_space<hbm>> -> memref<4096xf32, #tpu.memory_space<hbm>>
    %dma_start3A_110 = arith.constant 4096 : i32
    %dma_start3A_111 = tpu.memref_slice %arg4[%add3A_42, %dma_start3A_110] : memref<832x16384xf32, #tpu.memory_space<hbm>> -> memref<1x4096xf32, #tpu.memory_space<hbm>>
    %dma_start3A_112 = tpu.memref_squeeze %dma_start3A_111 : memref<1x4096xf32, #tpu.memory_space<hbm>> -> memref<4096xf32, #tpu.memory_space<hbm>>
    %dma_start3A_113 = arith.constant 0 : i32
    %dma_start3A_114 = tpu.memref_slice %arg7[%dma_start3A_103, %dma_start3A_113] : memref<2x4096xf32, #tpu.memory_space<vmem>> -> memref<1x4096xf32, #tpu.memory_space<vmem>>
    %dma_start3A_115 = tpu.memref_squeeze %dma_start3A_114 : memref<1x4096xf32, #tpu.memory_space<vmem>> -> memref<4096xf32, #tpu.memory_space<vmem>>
    tpu.enqueue_dma source(%dma_start3A_115 : memref<4096xf32, #tpu.memory_space<vmem>>) target(%dma_start3A_112 : memref<4096xf32, #tpu.memory_space<hbm>>) target_semaphore(%arg14 : memref<!tpu.dma_semaphore, #tpu.memory_space<semaphore_mem>>)
    %dma_start3A_116 = arith.constant 0 : i32
    %dma_start3A_117 = arith.constant 3 : i32
    %dma_start3A_118 = arith.constant 0 : i32
    %dma_start3A_119 = tpu.memref_slice %arg6[%dma_start3A_117, %dma_start3A_118] : memref<4x4096xi32, #tpu.memory_space<vmem>> -> memref<1x4096xi32, #tpu.memory_space<vmem>>
    %dma_start3A_120 = tpu.memref_squeeze %dma_start3A_119 : memref<1x4096xi32, #tpu.memory_space<vmem>> -> memref<4096xi32, #tpu.memory_space<vmem>>
    %dma_start3A_121 = arith.constant 12288 : i32
    %dma_start3A_122 = tpu.memref_slice %arg2[%dma_start3A_116, %dma_start3A_121] : memref<26x16384xi32, #tpu.memory_space<hbm>> -> memref<1x4096xi32, #tpu.memory_space<hbm>>
    %dma_start3A_123 = tpu.memref_squeeze %dma_start3A_122 : memref<1x4096xi32, #tpu.memory_space<hbm>> -> memref<4096xi32, #tpu.memory_space<hbm>>
    %dma_start3A_124 = arith.constant 0 : i32
    %dma_start3A_125 = tpu.memref_slice %arg6[%dma_start3A_117, %dma_start3A_124] : memref<4x4096xi32, #tpu.memory_space<vmem>> -> memref<1x4096xi32, #tpu.memory_space<vmem>>
    %dma_start3A_126 = tpu.memref_squeeze %dma_start3A_125 : memref<1x4096xi32, #tpu.memory_space<vmem>> -> memref<4096xi32, #tpu.memory_space<vmem>>
    %dma_start3A_127 = arith.constant 12288 : i32
    %dma_start3A_128 = tpu.memref_slice %arg2[%dma_start3A_116, %dma_start3A_127] : memref<26x16384xi32, #tpu.memory_space<hbm>> -> memref<1x4096xi32, #tpu.memory_space<hbm>>
    %dma_start3A_129 = tpu.memref_squeeze %dma_start3A_128 : memref<1x4096xi32, #tpu.memory_space<hbm>> -> memref<4096xi32, #tpu.memory_space<hbm>>
    tpu.enqueue_dma source(%dma_start3A_129 : memref<4096xi32, #tpu.memory_space<hbm>>) target(%dma_start3A_126 : memref<4096xi32, #tpu.memory_space<vmem>>) target_semaphore(%arg12 : memref<!tpu.dma_semaphore, #tpu.memory_space<semaphore_mem>>)
    %dma_wait3A_130 = arith.constant 0 : i32
    %dma_wait3A_131 = arith.constant 2 : i32
    %dma_wait3A_132 = arith.constant 0 : i32
    %dma_wait3A_133 = tpu.memref_slice %arg6[%dma_wait3A_131, %dma_wait3A_132] : memref<4x4096xi32, #tpu.memory_space<vmem>> -> memref<1x4096xi32, #tpu.memory_space<vmem>>
    %dma_wait3A_134 = tpu.memref_squeeze %dma_wait3A_133 : memref<1x4096xi32, #tpu.memory_space<vmem>> -> memref<4096xi32, #tpu.memory_space<vmem>>
    %dma_wait3A_135 = arith.constant 8192 : i32
    %dma_wait3A_136 = tpu.memref_slice %arg2[%dma_wait3A_130, %dma_wait3A_135] : memref<26x16384xi32, #tpu.memory_space<hbm>> -> memref<1x4096xi32, #tpu.memory_space<hbm>>
    %dma_wait3A_137 = tpu.memref_squeeze %dma_wait3A_136 : memref<1x4096xi32, #tpu.memory_space<hbm>> -> memref<4096xi32, #tpu.memory_space<hbm>>
    %dma_wait3A_138 = arith.constant 0 : i32
    %dma_wait3A_139 = tpu.memref_slice %arg6[%dma_wait3A_131, %dma_wait3A_138] : memref<4x4096xi32, #tpu.memory_space<vmem>> -> memref<1x4096xi32, #tpu.memory_space<vmem>>
    %dma_wait3A_140 = tpu.memref_squeeze %dma_wait3A_139 : memref<1x4096xi32, #tpu.memory_space<vmem>> -> memref<4096xi32, #tpu.memory_space<vmem>>
    %dma_wait3A_141 = arith.constant 8192 : i32
    %dma_wait3A_142 = tpu.memref_slice %arg2[%dma_wait3A_130, %dma_wait3A_141] : memref<26x16384xi32, #tpu.memory_space<hbm>> -> memref<1x4096xi32, #tpu.memory_space<hbm>>
    %dma_wait3A_143 = tpu.memref_squeeze %dma_wait3A_142 : memref<1x4096xi32, #tpu.memory_space<hbm>> -> memref<4096xi32, #tpu.memory_space<hbm>>
    tpu.wait_dma2 semaphore(%arg11 : memref<!tpu.dma_semaphore, #tpu.memory_space<semaphore_mem>>) src(%dma_wait3A_143 : memref<4096xi32, #tpu.memory_space<hbm>>) dst(%dma_wait3A_140 : memref<4096xi32, #tpu.memory_space<vmem>>)
    %dma_wait3A_144 = arith.constant 0 : i32
    %dma_wait3A_145 = arith.constant 0 : i32
    %dma_wait3A_146 = tpu.memref_slice %arg7[%dma_wait3A_144, %dma_wait3A_145] : memref<2x4096xf32, #tpu.memory_space<vmem>> -> memref<1x4096xf32, #tpu.memory_space<vmem>>
    %dma_wait3A_147 = tpu.memref_squeeze %dma_wait3A_146 : memref<1x4096xf32, #tpu.memory_space<vmem>> -> memref<4096xf32, #tpu.memory_space<vmem>>
    %dma_wait3A_148 = arith.constant 8192 : i32
    %dma_wait3A_149 = tpu.memref_slice %arg4[%add3A_42, %dma_wait3A_148] : memref<832x16384xf32, #tpu.memory_space<hbm>> -> memref<1x4096xf32, #tpu.memory_space<hbm>>
    %dma_wait3A_150 = tpu.memref_squeeze %dma_wait3A_149 : memref<1x4096xf32, #tpu.memory_space<hbm>> -> memref<4096xf32, #tpu.memory_space<hbm>>
    %dma_wait3A_151 = arith.constant 8192 : i32
    %dma_wait3A_152 = tpu.memref_slice %arg4[%add3A_42, %dma_wait3A_151] : memref<832x16384xf32, #tpu.memory_space<hbm>> -> memref<1x4096xf32, #tpu.memory_space<hbm>>
    %dma_wait3A_153 = tpu.memref_squeeze %dma_wait3A_152 : memref<1x4096xf32, #tpu.memory_space<hbm>> -> memref<4096xf32, #tpu.memory_space<hbm>>
    %dma_wait3A_154 = arith.constant 0 : i32
    %dma_wait3A_155 = tpu.memref_slice %arg7[%dma_wait3A_144, %dma_wait3A_154] : memref<2x4096xf32, #tpu.memory_space<vmem>> -> memref<1x4096xf32, #tpu.memory_space<vmem>>
    %dma_wait3A_156 = tpu.memref_squeeze %dma_wait3A_155 : memref<1x4096xf32, #tpu.memory_space<vmem>> -> memref<4096xf32, #tpu.memory_space<vmem>>
    tpu.wait_dma2 semaphore(%arg13 : memref<!tpu.dma_semaphore, #tpu.memory_space<semaphore_mem>>) src(%dma_wait3A_156 : memref<4096xf32, #tpu.memory_space<vmem>>) dst(%dma_wait3A_153 : memref<4096xf32, #tpu.memory_space<hbm>>)
    %parallel_loop3A_157 = arith.constant 0 : i32
    %parallel_loop3A_158 = arith.constant 4096 : i32
    %parallel_loop3A_159 = arith.constant 16 : i32
    scf.for %parallel_loop3A_495 = %parallel_loop3A_157 to %parallel_loop3A_158 step %parallel_loop3A_159  : i32 {
      %parallel_loop3A_496 = arith.constant 2 : i32
      %parallel_loop3A_497 = arith.index_cast %parallel_loop3A_496 : i32 to index
      %parallel_loop3A_498 = arith.index_cast %parallel_loop3A_495 : i32 to index
      %parallel_loop3A_499 = tpu.vector_load %arg6[%parallel_loop3A_497, %parallel_loop3A_498] {strides = array<i32>} : memref<4x4096xi32, #tpu.memory_space<vmem>>, vector<16xi32>,
      %parallel_loop3A_500 = tpu.vector_load_idx %arg5[%parallel_loop3A_499] : memref<100000xf32, #tpu.memory_space<vmem>>[vector<16xi32>], vector<16xf32>,
      %parallel_loop3A_501 = arith.constant 0 : i32
      %parallel_loop3A_502 = arith.index_cast %parallel_loop3A_501 : i32 to index
      %parallel_loop3A_503 = arith.index_cast %parallel_loop3A_495 : i32 to index
      %parallel_loop3A_504 = tpu.vector_load %arg7[%parallel_loop3A_502, %parallel_loop3A_503] {strides = array<i32>} : memref<2x4096xf32, #tpu.memory_space<vmem>>, vector<16xf32>,
      tpu.vector_store %arg7[%parallel_loop3A_502, %parallel_loop3A_503], %parallel_loop3A_500 {strides = array<i32>} : memref<2x4096xf32, #tpu.memory_space<vmem>>, vector<16xf32>,
    } {sc.loop_unroll_factor = 8 : i64, sc.parallel_access}
    %dma_start3A_160 = arith.constant 0 : i32
    %dma_start3A_161 = arith.constant 0 : i32
    %dma_start3A_162 = tpu.memref_slice %arg7[%dma_start3A_160, %dma_start3A_161] : memref<2x4096xf32, #tpu.memory_space<vmem>> -> memref<1x4096xf32, #tpu.memory_space<vmem>>
    %dma_start3A_163 = tpu.memref_squeeze %dma_start3A_162 : memref<1x4096xf32, #tpu.memory_space<vmem>> -> memref<4096xf32, #tpu.memory_space<vmem>>
    %dma_start3A_164 = arith.constant 8192 : i32
    %dma_start3A_165 = tpu.memref_slice %arg4[%add3A_42, %dma_start3A_164] : memref<832x16384xf32, #tpu.memory_space<hbm>> -> memref<1x4096xf32, #tpu.memory_space<hbm>>
    %dma_start3A_166 = tpu.memref_squeeze %dma_start3A_165 : memref<1x4096xf32, #tpu.memory_space<hbm>> -> memref<4096xf32, #tpu.memory_space<hbm>>
    %dma_start3A_167 = arith.constant 8192 : i32
    %dma_start3A_168 = tpu.memref_slice %arg4[%add3A_42, %dma_start3A_167] : memref<832x16384xf32, #tpu.memory_space<hbm>> -> memref<1x4096xf32, #tpu.memory_space<hbm>>
    %dma_start3A_169 = tpu.memref_squeeze %dma_start3A_168 : memref<1x4096xf32, #tpu.memory_space<hbm>> -> memref<4096xf32, #tpu.memory_space<hbm>>
    %dma_start3A_170 = arith.constant 0 : i32
    %dma_start3A_171 = tpu.memref_slice %arg7[%dma_start3A_160, %dma_start3A_170] : memref<2x4096xf32, #tpu.memory_space<vmem>> -> memref<1x4096xf32, #tpu.memory_space<vmem>>
    %dma_start3A_172 = tpu.memref_squeeze %dma_start3A_171 : memref<1x4096xf32, #tpu.memory_space<vmem>> -> memref<4096xf32, #tpu.memory_space<vmem>>
    tpu.enqueue_dma source(%dma_start3A_172 : memref<4096xf32, #tpu.memory_space<vmem>>) target(%dma_start3A_169 : memref<4096xf32, #tpu.memory_space<hbm>>) target_semaphore(%arg13 : memref<!tpu.dma_semaphore, #tpu.memory_space<semaphore_mem>>)
    %dma_start3A_173 = arith.constant 1 : i32
    %dma_start3A_174 = arith.constant 0 : i32
    %dma_start3A_175 = arith.constant 0 : i32
    %dma_start3A_176 = tpu.memref_slice %arg6[%dma_start3A_174, %dma_start3A_175] : memref<4x4096xi32, #tpu.memory_space<vmem>> -> memref<1x4096xi32, #tpu.memory_space<vmem>>
    %dma_start3A_177 = tpu.memref_squeeze %dma_start3A_176 : memref<1x4096xi32, #tpu.memory_space<vmem>> -> memref<4096xi32, #tpu.memory_space<vmem>>
    %dma_start3A_178 = arith.constant 0 : i32
    %dma_start3A_179 = tpu.memref_slice %arg2[%dma_start3A_173, %dma_start3A_178] : memref<26x16384xi32, #tpu.memory_space<hbm>> -> memref<1x4096xi32, #tpu.memory_space<hbm>>
    %dma_start3A_180 = tpu.memref_squeeze %dma_start3A_179 : memref<1x4096xi32, #tpu.memory_space<hbm>> -> memref<4096xi32, #tpu.memory_space<hbm>>
    %dma_start3A_181 = arith.constant 0 : i32
    %dma_start3A_182 = tpu.memref_slice %arg6[%dma_start3A_174, %dma_start3A_181] : memref<4x4096xi32, #tpu.memory_space<vmem>> -> memref<1x4096xi32, #tpu.memory_space<vmem>>
    %dma_start3A_183 = tpu.memref_squeeze %dma_start3A_182 : memref<1x4096xi32, #tpu.memory_space<vmem>> -> memref<4096xi32, #tpu.memory_space<vmem>>
    %dma_start3A_184 = arith.constant 0 : i32
    %dma_start3A_185 = tpu.memref_slice %arg2[%dma_start3A_173, %dma_start3A_184] : memref<26x16384xi32, #tpu.memory_space<hbm>> -> memref<1x4096xi32, #tpu.memory_space<hbm>>
    %dma_start3A_186 = tpu.memref_squeeze %dma_start3A_185 : memref<1x4096xi32, #tpu.memory_space<hbm>> -> memref<4096xi32, #tpu.memory_space<hbm>>
    tpu.enqueue_dma source(%dma_start3A_186 : memref<4096xi32, #tpu.memory_space<hbm>>) target(%dma_start3A_183 : memref<4096xi32, #tpu.memory_space<vmem>>) target_semaphore(%arg9 : memref<!tpu.dma_semaphore, #tpu.memory_space<semaphore_mem>>)
    %dma_wait3A_187 = arith.constant 0 : i32
    %dma_wait3A_188 = arith.constant 3 : i32
    %dma_wait3A_189 = arith.constant 0 : i32
    %dma_wait3A_190 = tpu.memref_slice %arg6[%dma_wait3A_188, %dma_wait3A_189] : memref<4x4096xi32, #tpu.memory_space<vmem>> -> memref<1x4096xi32, #tpu.memory_space<vmem>>
    %dma_wait3A_191 = tpu.memref_squeeze %dma_wait3A_190 : memref<1x4096xi32, #tpu.memory_space<vmem>> -> memref<4096xi32, #tpu.memory_space<vmem>>
    %dma_wait3A_192 = arith.constant 12288 : i32
    %dma_wait3A_193 = tpu.memref_slice %arg2[%dma_wait3A_187, %dma_wait3A_192] : memref<26x16384xi32, #tpu.memory_space<hbm>> -> memref<1x4096xi32, #tpu.memory_space<hbm>>
    %dma_wait3A_194 = tpu.memref_squeeze %dma_wait3A_193 : memref<1x4096xi32, #tpu.memory_space<hbm>> -> memref<4096xi32, #tpu.memory_space<hbm>>
    %dma_wait3A_195 = arith.constant 0 : i32
    %dma_wait3A_196 = tpu.memref_slice %arg6[%dma_wait3A_188, %dma_wait3A_195] : memref<4x4096xi32, #tpu.memory_space<vmem>> -> memref<1x4096xi32, #tpu.memory_space<vmem>>
    %dma_wait3A_197 = tpu.memref_squeeze %dma_wait3A_196 : memref<1x4096xi32, #tpu.memory_space<vmem>> -> memref<4096xi32, #tpu.memory_space<vmem>>
    %dma_wait3A_198 = arith.constant 12288 : i32
    %dma_wait3A_199 = tpu.memref_slice %arg2[%dma_wait3A_187, %dma_wait3A_198] : memref<26x16384xi32, #tpu.memory_space<hbm>> -> memref<1x4096xi32, #tpu.memory_space<hbm>>
    %dma_wait3A_200 = tpu.memref_squeeze %dma_wait3A_199 : memref<1x4096xi32, #tpu.memory_space<hbm>> -> memref<4096xi32, #tpu.memory_space<hbm>>
    tpu.wait_dma2 semaphore(%arg12 : memref<!tpu.dma_semaphore, #tpu.memory_space<semaphore_mem>>) src(%dma_wait3A_200 : memref<4096xi32, #tpu.memory_space<hbm>>) dst(%dma_wait3A_197 : memref<4096xi32, #tpu.memory_space<vmem>>)
    %dma_wait3A_201 = arith.constant 1 : i32
    %dma_wait3A_202 = arith.constant 0 : i32
    %dma_wait3A_203 = tpu.memref_slice %arg7[%dma_wait3A_201, %dma_wait3A_202] : memref<2x4096xf32, #tpu.memory_space<vmem>> -> memref<1x4096xf32, #tpu.memory_space<vmem>>
    %dma_wait3A_204 = tpu.memref_squeeze %dma_wait3A_203 : memref<1x4096xf32, #tpu.memory_space<vmem>> -> memref<4096xf32, #tpu.memory_space<vmem>>
    %dma_wait3A_205 = arith.constant 12288 : i32
    %dma_wait3A_206 = tpu.memref_slice %arg4[%add3A_42, %dma_wait3A_205] : memref<832x16384xf32, #tpu.memory_space<hbm>> -> memref<1x4096xf32, #tpu.memory_space<hbm>>
    %dma_wait3A_207 = tpu.memref_squeeze %dma_wait3A_206 : memref<1x4096xf32, #tpu.memory_space<hbm>> -> memref<4096xf32, #tpu.memory_space<hbm>>
    %dma_wait3A_208 = arith.constant 12288 : i32
    %dma_wait3A_209 = tpu.memref_slice %arg4[%add3A_42, %dma_wait3A_208] : memref<832x16384xf32, #tpu.memory_space<hbm>> -> memref<1x4096xf32, #tpu.memory_space<hbm>>
    %dma_wait3A_210 = tpu.memref_squeeze %dma_wait3A_209 : memref<1x4096xf32, #tpu.memory_space<hbm>> -> memref<4096xf32, #tpu.memory_space<hbm>>
    %dma_wait3A_211 = arith.constant 0 : i32
    %dma_wait3A_212 = tpu.memref_slice %arg7[%dma_wait3A_201, %dma_wait3A_211] : memref<2x4096xf32, #tpu.memory_space<vmem>> -> memref<1x4096xf32, #tpu.memory_space<vmem>>
    %dma_wait3A_213 = tpu.memref_squeeze %dma_wait3A_212 : memref<1x4096xf32, #tpu.memory_space<vmem>> -> memref<4096xf32, #tpu.memory_space<vmem>>
    tpu.wait_dma2 semaphore(%arg14 : memref<!tpu.dma_semaphore, #tpu.memory_space<semaphore_mem>>) src(%dma_wait3A_213 : memref<4096xf32, #tpu.memory_space<vmem>>) dst(%dma_wait3A_210 : memref<4096xf32, #tpu.memory_space<hbm>>)
    %parallel_loop3A_214 = arith.constant 0 : i32
    %parallel_loop3A_215 = arith.constant 4096 : i32
    %parallel_loop3A_216 = arith.constant 16 : i32
    scf.for %parallel_loop3A_495 = %parallel_loop3A_214 to %parallel_loop3A_215 step %parallel_loop3A_216  : i32 {
      %parallel_loop3A_496 = arith.constant 3 : i32
      %parallel_loop3A_497 = arith.index_cast %parallel_loop3A_496 : i32 to index
      %parallel_loop3A_498 = arith.index_cast %parallel_loop3A_495 : i32 to index
      %parallel_loop3A_499 = tpu.vector_load %arg6[%parallel_loop3A_497, %parallel_loop3A_498] {strides = array<i32>} : memref<4x4096xi32, #tpu.memory_space<vmem>>, vector<16xi32>,
      %parallel_loop3A_500 = tpu.vector_load_idx %arg5[%parallel_loop3A_499] : memref<100000xf32, #tpu.memory_space<vmem>>[vector<16xi32>], vector<16xf32>,
      %parallel_loop3A_501 = arith.constant 1 : i32
      %parallel_loop3A_502 = arith.index_cast %parallel_loop3A_501 : i32 to index
      %parallel_loop3A_503 = arith.index_cast %parallel_loop3A_495 : i32 to index
      %parallel_loop3A_504 = tpu.vector_load %arg7[%parallel_loop3A_502, %parallel_loop3A_503] {strides = array<i32>} : memref<2x4096xf32, #tpu.memory_space<vmem>>, vector<16xf32>,
      tpu.vector_store %arg7[%parallel_loop3A_502, %parallel_loop3A_503], %parallel_loop3A_500 {strides = array<i32>} : memref<2x4096xf32, #tpu.memory_space<vmem>>, vector<16xf32>,
    } {sc.loop_unroll_factor = 8 : i64, sc.parallel_access}
    %dma_start3A_217 = arith.constant 1 : i32
    %dma_start3A_218 = arith.constant 0 : i32
    %dma_start3A_219 = tpu.memref_slice %arg7[%dma_start3A_217, %dma_start3A_218] : memref<2x4096xf32, #tpu.memory_space<vmem>> -> memref<1x4096xf32, #tpu.memory_space<vmem>>
    %dma_start3A_220 = tpu.memref_squeeze %dma_start3A_219 : memref<1x4096xf32, #tpu.memory_space<vmem>> -> memref<4096xf32, #tpu.memory_space<vmem>>
    %dma_start3A_221 = arith.constant 12288 : i32
    %dma_start3A_222 = tpu.memref_slice %arg4[%add3A_42, %dma_start3A_221] : memref<832x16384xf32, #tpu.memory_space<hbm>> -> memref<1x4096xf32, #tpu.memory_space<hbm>>
    %dma_start3A_223 = tpu.memref_squeeze %dma_start3A_222 : memref<1x4096xf32, #tpu.memory_space<hbm>> -> memref<4096xf32, #tpu.memory_space<hbm>>
    %dma_start3A_224 = arith.constant 12288 : i32
    %dma_start3A_225 = tpu.memref_slice %arg4[%add3A_42, %dma_start3A_224] : memref<832x16384xf32, #tpu.memory_space<hbm>> -> memref<1x4096xf32, #tpu.memory_space<hbm>>
    %dma_start3A_226 = tpu.memref_squeeze %dma_start3A_225 : memref<1x4096xf32, #tpu.memory_space<hbm>> -> memref<4096xf32, #tpu.memory_space<hbm>>
    %dma_start3A_227 = arith.constant 0 : i32
    %dma_start3A_228 = tpu.memref_slice %arg7[%dma_start3A_217, %dma_start3A_227] : memref<2x4096xf32, #tpu.memory_space<vmem>> -> memref<1x4096xf32, #tpu.memory_space<vmem>>
    %dma_start3A_229 = tpu.memref_squeeze %dma_start3A_228 : memref<1x4096xf32, #tpu.memory_space<vmem>> -> memref<4096xf32, #tpu.memory_space<vmem>>
    tpu.enqueue_dma source(%dma_start3A_229 : memref<4096xf32, #tpu.memory_space<vmem>>) target(%dma_start3A_226 : memref<4096xf32, #tpu.memory_space<hbm>>) target_semaphore(%arg14 : memref<!tpu.dma_semaphore, #tpu.memory_space<semaphore_mem>>)
    %dma_start3A_230 = arith.constant 1 : i32
    %dma_start3A_231 = arith.constant 1 : i32
    %dma_start3A_232 = arith.constant 0 : i32
    %dma_start3A_233 = tpu.memref_slice %arg6[%dma_start3A_231, %dma_start3A_232] : memref<4x4096xi32, #tpu.memory_space<vmem>> -> memref<1x4096xi32, #tpu.memory_space<vmem>>
    %dma_start3A_234 = tpu.memref_squeeze %dma_start3A_233 : memref<1x4096xi32, #tpu.memory_space<vmem>> -> memref<4096xi32, #tpu.memory_space<vmem>>
    %dma_start3A_235 = arith.constant 4096 : i32
    %dma_start3A_236 = tpu.memref_slice %arg2[%dma_start3A_230, %dma_start3A_235] : memref<26x16384xi32, #tpu.memory_space<hbm>> -> memref<1x4096xi32, #tpu.memory_space<hbm>>
    %dma_start3A_237 = tpu.memref_squeeze %dma_start3A_236 : memref<1x4096xi32, #tpu.memory_space<hbm>> -> memref<4096xi32, #tpu.memory_space<hbm>>
    %dma_start3A_238 = arith.constant 0 : i32
    %dma_start3A_239 = tpu.memref_slice %arg6[%dma_start3A_231, %dma_start3A_238] : memref<4x4096xi32, #tpu.memory_space<vmem>> -> memref<1x4096xi32, #tpu.memory_space<vmem>>
    %dma_start3A_240 = tpu.memref_squeeze %dma_start3A_239 : memref<1x4096xi32, #tpu.memory_space<vmem>> -> memref<4096xi32, #tpu.memory_space<vmem>>
    %dma_start3A_241 = arith.constant 4096 : i32
    %dma_start3A_242 = tpu.memref_slice %arg2[%dma_start3A_230, %dma_start3A_241] : memref<26x16384xi32, #tpu.memory_space<hbm>> -> memref<1x4096xi32, #tpu.memory_space<hbm>>
    %dma_start3A_243 = tpu.memref_squeeze %dma_start3A_242 : memref<1x4096xi32, #tpu.memory_space<hbm>> -> memref<4096xi32, #tpu.memory_space<hbm>>
    tpu.enqueue_dma source(%dma_start3A_243 : memref<4096xi32, #tpu.memory_space<hbm>>) target(%dma_start3A_240 : memref<4096xi32, #tpu.memory_space<vmem>>) target_semaphore(%arg10 : memref<!tpu.dma_semaphore, #tpu.memory_space<semaphore_mem>>)
    %scan3A = arith.constant 0 : i32
    %scan3A_244 = arith.constant 1 : i32
    %scan3A_245 = arith.constant 24 : i32
    %scan3A_246 = arith.addi %scan3A_244, %scan3A_245 : i32
    %scan3A_247 = arith.constant 1 : i32
    scf.for %scan3A_495 = %scan3A_244 to %scan3A_246 step %scan3A_247  : i32 {
      %dma_start3A_496 = arith.constant 0 : i32
      %dma_start3A_497 = tpu.memref_slice %arg3[%scan3A_495, %add3A, %dma_start3A_496] : memref<26x32x100000xf32, #tpu.memory_space<hbm>> -> memref<1x1x100000xf32, #tpu.memory_space<hbm>>
      %dma_start3A_498 = tpu.memref_squeeze %dma_start3A_497 : memref<1x1x100000xf32, #tpu.memory_space<hbm>> -> memref<100000xf32, #tpu.memory_space<hbm>>
      %dma_start3A_499 = arith.constant 0 : i32
      %dma_start3A_500 = tpu.memref_slice %arg3[%scan3A_495, %add3A, %dma_start3A_499] : memref<26x32x100000xf32, #tpu.memory_space<hbm>> -> memref<1x1x100000xf32, #tpu.memory_space<hbm>>
      %dma_start3A_501 = tpu.memref_squeeze %dma_start3A_500 : memref<1x1x100000xf32, #tpu.memory_space<hbm>> -> memref<100000xf32, #tpu.memory_space<hbm>>
      tpu.enqueue_dma source(%dma_start3A_501 : memref<100000xf32, #tpu.memory_space<hbm>>) target(%arg5 : memref<100000xf32, #tpu.memory_space<vmem>>) target_semaphore(%arg8 : memref<!tpu.dma_semaphore, #tpu.memory_space<semaphore_mem>>)
      %dma_wait3A_502 = arith.constant 0 : i32
      %dma_wait3A_503 = tpu.memref_slice %arg3[%scan3A_495, %add3A, %dma_wait3A_502] : memref<26x32x100000xf32, #tpu.memory_space<hbm>> -> memref<1x1x100000xf32, #tpu.memory_space<hbm>>
      %dma_wait3A_504 = tpu.memref_squeeze %dma_wait3A_503 : memref<1x1x100000xf32, #tpu.memory_space<hbm>> -> memref<100000xf32, #tpu.memory_space<hbm>>
      %dma_wait3A_505 = arith.constant 0 : i32
      %dma_wait3A_506 = tpu.memref_slice %arg3[%scan3A_495, %add3A, %dma_wait3A_505] : memref<26x32x100000xf32, #tpu.memory_space<hbm>> -> memref<1x1x100000xf32, #tpu.memory_space<hbm>>
      %dma_wait3A_507 = tpu.memref_squeeze %dma_wait3A_506 : memref<1x1x100000xf32, #tpu.memory_space<hbm>> -> memref<100000xf32, #tpu.memory_space<hbm>>
      tpu.wait_dma2 semaphore(%arg8 : memref<!tpu.dma_semaphore, #tpu.memory_space<semaphore_mem>>) src(%dma_wait3A_507 : memref<100000xf32, #tpu.memory_space<hbm>>) dst(%arg5 : memref<100000xf32, #tpu.memory_space<vmem>>)
      %mul3A_508 = arith.constant 32 : i32
      %mul3A_509 = arith.muli %scan3A_495, %mul3A_508 : i32
      %add3A_510 = arith.addi %mul3A_509, %add3A : i32
      %dma_wait3A_511 = arith.constant 0 : i32
      %dma_wait3A_512 = arith.constant 0 : i32
      %dma_wait3A_513 = tpu.memref_slice %arg6[%dma_wait3A_511, %dma_wait3A_512] : memref<4x4096xi32, #tpu.memory_space<vmem>> -> memref<1x4096xi32, #tpu.memory_space<vmem>>
      %dma_wait3A_514 = tpu.memref_squeeze %dma_wait3A_513 : memref<1x4096xi32, #tpu.memory_space<vmem>> -> memref<4096xi32, #tpu.memory_space<vmem>>
      %dma_wait3A_515 = arith.constant 0 : i32
      %dma_wait3A_516 = tpu.memref_slice %arg2[%scan3A_495, %dma_wait3A_515] : memref<26x16384xi32, #tpu.memory_space<hbm>> -> memref<1x4096xi32, #tpu.memory_space<hbm>>
      %dma_wait3A_517 = tpu.memref_squeeze %dma_wait3A_516 : memref<1x4096xi32, #tpu.memory_space<hbm>> -> memref<4096xi32, #tpu.memory_space<hbm>>
      %dma_wait3A_518 = arith.constant 0 : i32
      %dma_wait3A_519 = tpu.memref_slice %arg6[%dma_wait3A_511, %dma_wait3A_518] : memref<4x4096xi32, #tpu.memory_space<vmem>> -> memref<1x4096xi32, #tpu.memory_space<vmem>>
      %dma_wait3A_520 = tpu.memref_squeeze %dma_wait3A_519 : memref<1x4096xi32, #tpu.memory_space<vmem>> -> memref<4096xi32, #tpu.memory_space<vmem>>
      %dma_wait3A_521 = arith.constant 0 : i32
      %dma_wait3A_522 = tpu.memref_slice %arg2[%scan3A_495, %dma_wait3A_521] : memref<26x16384xi32, #tpu.memory_space<hbm>> -> memref<1x4096xi32, #tpu.memory_space<hbm>>
      %dma_wait3A_523 = tpu.memref_squeeze %dma_wait3A_522 : memref<1x4096xi32, #tpu.memory_space<hbm>> -> memref<4096xi32, #tpu.memory_space<hbm>>
      tpu.wait_dma2 semaphore(%arg9 : memref<!tpu.dma_semaphore, #tpu.memory_space<semaphore_mem>>) src(%dma_wait3A_523 : memref<4096xi32, #tpu.memory_space<hbm>>) dst(%dma_wait3A_520 : memref<4096xi32, #tpu.memory_space<vmem>>)
      %dma_wait3A_524 = arith.constant 0 : i32
      %dma_wait3A_525 = arith.constant 0 : i32
      %dma_wait3A_526 = tpu.memref_slice %arg7[%dma_wait3A_524, %dma_wait3A_525] : memref<2x4096xf32, #tpu.memory_space<vmem>> -> memref<1x4096xf32, #tpu.memory_space<vmem>>
      %dma_wait3A_527 = tpu.memref_squeeze %dma_wait3A_526 : memref<1x4096xf32, #tpu.memory_space<vmem>> -> memref<4096xf32, #tpu.memory_space<vmem>>
      %dma_wait3A_528 = arith.constant 0 : i32
      %dma_wait3A_529 = tpu.memref_slice %arg4[%add3A_510, %dma_wait3A_528] : memref<832x16384xf32, #tpu.memory_space<hbm>> -> memref<1x4096xf32, #tpu.memory_space<hbm>>
      %dma_wait3A_530 = tpu.memref_squeeze %dma_wait3A_529 : memref<1x4096xf32, #tpu.memory_space<hbm>> -> memref<4096xf32, #tpu.memory_space<hbm>>
      %dma_wait3A_531 = arith.constant 0 : i32
      %dma_wait3A_532 = tpu.memref_slice %arg4[%add3A_510, %dma_wait3A_531] : memref<832x16384xf32, #tpu.memory_space<hbm>> -> memref<1x4096xf32, #tpu.memory_space<hbm>>
      %dma_wait3A_533 = tpu.memref_squeeze %dma_wait3A_532 : memref<1x4096xf32, #tpu.memory_space<hbm>> -> memref<4096xf32, #tpu.memory_space<hbm>>
      %dma_wait3A_534 = arith.constant 0 : i32
      %dma_wait3A_535 = tpu.memref_slice %arg7[%dma_wait3A_524, %dma_wait3A_534] : memref<2x4096xf32, #tpu.memory_space<vmem>> -> memref<1x4096xf32, #tpu.memory_space<vmem>>
      %dma_wait3A_536 = tpu.memref_squeeze %dma_wait3A_535 : memref<1x4096xf32, #tpu.memory_space<vmem>> -> memref<4096xf32, #tpu.memory_space<vmem>>
      tpu.wait_dma2 semaphore(%arg13 : memref<!tpu.dma_semaphore, #tpu.memory_space<semaphore_mem>>) src(%dma_wait3A_536 : memref<4096xf32, #tpu.memory_space<vmem>>) dst(%dma_wait3A_533 : memref<4096xf32, #tpu.memory_space<hbm>>)
      %parallel_loop3A_537 = arith.constant 0 : i32
      %parallel_loop3A_538 = arith.constant 4096 : i32
      %parallel_loop3A_539 = arith.constant 16 : i32
      scf.for %parallel_loop3A_735 = %parallel_loop3A_537 to %parallel_loop3A_538 step %parallel_loop3A_539  : i32 {
        %parallel_loop3A_736 = arith.constant 0 : i32
        %parallel_loop3A_737 = arith.index_cast %parallel_loop3A_736 : i32 to index
        %parallel_loop3A_738 = arith.index_cast %parallel_loop3A_735 : i32 to index
        %parallel_loop3A_739 = tpu.vector_load %arg6[%parallel_loop3A_737, %parallel_loop3A_738] {strides = array<i32>} : memref<4x4096xi32, #tpu.memory_space<vmem>>, vector<16xi32>,
        %parallel_loop3A_740 = tpu.vector_load_idx %arg5[%parallel_loop3A_739] : memref<100000xf32, #tpu.memory_space<vmem>>[vector<16xi32>], vector<16xf32>,
        %parallel_loop3A_741 = arith.constant 0 : i32
        %parallel_loop3A_742 = arith.index_cast %parallel_loop3A_741 : i32 to index
        %parallel_loop3A_743 = arith.index_cast %parallel_loop3A_735 : i32 to index
        %parallel_loop3A_744 = tpu.vector_load %arg7[%parallel_loop3A_742, %parallel_loop3A_743] {strides = array<i32>} : memref<2x4096xf32, #tpu.memory_space<vmem>>, vector<16xf32>,
        tpu.vector_store %arg7[%parallel_loop3A_742, %parallel_loop3A_743], %parallel_loop3A_740 {strides = array<i32>} : memref<2x4096xf32, #tpu.memory_space<vmem>>, vector<16xf32>,
      } {sc.loop_unroll_factor = 8 : i64, sc.parallel_access}
      %dma_start3A_540 = arith.constant 0 : i32
      %dma_start3A_541 = arith.constant 0 : i32
      %dma_start3A_542 = tpu.memref_slice %arg7[%dma_start3A_540, %dma_start3A_541] : memref<2x4096xf32, #tpu.memory_space<vmem>> -> memref<1x4096xf32, #tpu.memory_space<vmem>>
      %dma_start3A_543 = tpu.memref_squeeze %dma_start3A_542 : memref<1x4096xf32, #tpu.memory_space<vmem>> -> memref<4096xf32, #tpu.memory_space<vmem>>
      %dma_start3A_544 = arith.constant 0 : i32
      %dma_start3A_545 = tpu.memref_slice %arg4[%add3A_510, %dma_start3A_544] : memref<832x16384xf32, #tpu.memory_space<hbm>> -> memref<1x4096xf32, #tpu.memory_space<hbm>>
      %dma_start3A_546 = tpu.memref_squeeze %dma_start3A_545 : memref<1x4096xf32, #tpu.memory_space<hbm>> -> memref<4096xf32, #tpu.memory_space<hbm>>
      %dma_start3A_547 = arith.constant 0 : i32
      %dma_start3A_548 = tpu.memref_slice %arg4[%add3A_510, %dma_start3A_547] : memref<832x16384xf32, #tpu.memory_space<hbm>> -> memref<1x4096xf32, #tpu.memory_space<hbm>>
      %dma_start3A_549 = tpu.memref_squeeze %dma_start3A_548 : memref<1x4096xf32, #tpu.memory_space<hbm>> -> memref<4096xf32, #tpu.memory_space<hbm>>
      %dma_start3A_550 = arith.constant 0 : i32
      %dma_start3A_551 = tpu.memref_slice %arg7[%dma_start3A_540, %dma_start3A_550] : memref<2x4096xf32, #tpu.memory_space<vmem>> -> memref<1x4096xf32, #tpu.memory_space<vmem>>
      %dma_start3A_552 = tpu.memref_squeeze %dma_start3A_551 : memref<1x4096xf32, #tpu.memory_space<vmem>> -> memref<4096xf32, #tpu.memory_space<vmem>>
      tpu.enqueue_dma source(%dma_start3A_552 : memref<4096xf32, #tpu.memory_space<vmem>>) target(%dma_start3A_549 : memref<4096xf32, #tpu.memory_space<hbm>>) target_semaphore(%arg13 : memref<!tpu.dma_semaphore, #tpu.memory_space<semaphore_mem>>)
      %dma_start3A_553 = arith.constant 2 : i32
      %dma_start3A_554 = arith.constant 0 : i32
      %dma_start3A_555 = tpu.memref_slice %arg6[%dma_start3A_553, %dma_start3A_554] : memref<4x4096xi32, #tpu.memory_space<vmem>> -> memref<1x4096xi32, #tpu.memory_space<vmem>>
      %dma_start3A_556 = tpu.memref_squeeze %dma_start3A_555 : memref<1x4096xi32, #tpu.memory_space<vmem>> -> memref<4096xi32, #tpu.memory_space<vmem>>
      %dma_start3A_557 = arith.constant 8192 : i32
      %dma_start3A_558 = tpu.memref_slice %arg2[%scan3A_495, %dma_start3A_557] : memref<26x16384xi32, #tpu.memory_space<hbm>> -> memref<1x4096xi32, #tpu.memory_space<hbm>>
      %dma_start3A_559 = tpu.memref_squeeze %dma_start3A_558 : memref<1x4096xi32, #tpu.memory_space<hbm>> -> memref<4096xi32, #tpu.memory_space<hbm>>
      %dma_start3A_560 = arith.constant 0 : i32
      %dma_start3A_561 = tpu.memref_slice %arg6[%dma_start3A_553, %dma_start3A_560] : memref<4x4096xi32, #tpu.memory_space<vmem>> -> memref<1x4096xi32, #tpu.memory_space<vmem>>
      %dma_start3A_562 = tpu.memref_squeeze %dma_start3A_561 : memref<1x4096xi32, #tpu.memory_space<vmem>> -> memref<4096xi32, #tpu.memory_space<vmem>>
      %dma_start3A_563 = arith.constant 8192 : i32
      %dma_start3A_564 = tpu.memref_slice %arg2[%scan3A_495, %dma_start3A_563] : memref<26x16384xi32, #tpu.memory_space<hbm>> -> memref<1x4096xi32, #tpu.memory_space<hbm>>
      %dma_start3A_565 = tpu.memref_squeeze %dma_start3A_564 : memref<1x4096xi32, #tpu.memory_space<hbm>> -> memref<4096xi32, #tpu.memory_space<hbm>>
      tpu.enqueue_dma source(%dma_start3A_565 : memref<4096xi32, #tpu.memory_space<hbm>>) target(%dma_start3A_562 : memref<4096xi32, #tpu.memory_space<vmem>>) target_semaphore(%arg11 : memref<!tpu.dma_semaphore, #tpu.memory_space<semaphore_mem>>)
      %dma_wait3A_566 = arith.constant 1 : i32
      %dma_wait3A_567 = arith.constant 0 : i32
      %dma_wait3A_568 = tpu.memref_slice %arg6[%dma_wait3A_566, %dma_wait3A_567] : memref<4x4096xi32, #tpu.memory_space<vmem>> -> memref<1x4096xi32, #tpu.memory_space<vmem>>
      %dma_wait3A_569 = tpu.memref_squeeze %dma_wait3A_568 : memref<1x4096xi32, #tpu.memory_space<vmem>> -> memref<4096xi32, #tpu.memory_space<vmem>>
      %dma_wait3A_570 = arith.constant 4096 : i32
      %dma_wait3A_571 = tpu.memref_slice %arg2[%scan3A_495, %dma_wait3A_570] : memref<26x16384xi32, #tpu.memory_space<hbm>> -> memref<1x4096xi32, #tpu.memory_space<hbm>>
      %dma_wait3A_572 = tpu.memref_squeeze %dma_wait3A_571 : memref<1x4096xi32, #tpu.memory_space<hbm>> -> memref<4096xi32, #tpu.memory_space<hbm>>
      %dma_wait3A_573 = arith.constant 0 : i32
      %dma_wait3A_574 = tpu.memref_slice %arg6[%dma_wait3A_566, %dma_wait3A_573] : memref<4x4096xi32, #tpu.memory_space<vmem>> -> memref<1x4096xi32, #tpu.memory_space<vmem>>
      %dma_wait3A_575 = tpu.memref_squeeze %dma_wait3A_574 : memref<1x4096xi32, #tpu.memory_space<vmem>> -> memref<4096xi32, #tpu.memory_space<vmem>>
      %dma_wait3A_576 = arith.constant 4096 : i32
      %dma_wait3A_577 = tpu.memref_slice %arg2[%scan3A_495, %dma_wait3A_576] : memref<26x16384xi32, #tpu.memory_space<hbm>> -> memref<1x4096xi32, #tpu.memory_space<hbm>>
      %dma_wait3A_578 = tpu.memref_squeeze %dma_wait3A_577 : memref<1x4096xi32, #tpu.memory_space<hbm>> -> memref<4096xi32, #tpu.memory_space<hbm>>
      tpu.wait_dma2 semaphore(%arg10 : memref<!tpu.dma_semaphore, #tpu.memory_space<semaphore_mem>>) src(%dma_wait3A_578 : memref<4096xi32, #tpu.memory_space<hbm>>) dst(%dma_wait3A_575 : memref<4096xi32, #tpu.memory_space<vmem>>)
      %dma_wait3A_579 = arith.constant 1 : i32
      %dma_wait3A_580 = arith.constant 0 : i32
      %dma_wait3A_581 = tpu.memref_slice %arg7[%dma_wait3A_579, %dma_wait3A_580] : memref<2x4096xf32, #tpu.memory_space<vmem>> -> memref<1x4096xf32, #tpu.memory_space<vmem>>
      %dma_wait3A_582 = tpu.memref_squeeze %dma_wait3A_581 : memref<1x4096xf32, #tpu.memory_space<vmem>> -> memref<4096xf32, #tpu.memory_space<vmem>>
      %dma_wait3A_583 = arith.constant 4096 : i32
      %dma_wait3A_584 = tpu.memref_slice %arg4[%add3A_510, %dma_wait3A_583] : memref<832x16384xf32, #tpu.memory_space<hbm>> -> memref<1x4096xf32, #tpu.memory_space<hbm>>
      %dma_wait3A_585 = tpu.memref_squeeze %dma_wait3A_584 : memref<1x4096xf32, #tpu.memory_space<hbm>> -> memref<4096xf32, #tpu.memory_space<hbm>>
      %dma_wait3A_586 = arith.constant 4096 : i32
      %dma_wait3A_587 = tpu.memref_slice %arg4[%add3A_510, %dma_wait3A_586] : memref<832x16384xf32, #tpu.memory_space<hbm>> -> memref<1x4096xf32, #tpu.memory_space<hbm>>
      %dma_wait3A_588 = tpu.memref_squeeze %dma_wait3A_587 : memref<1x4096xf32, #tpu.memory_space<hbm>> -> memref<4096xf32, #tpu.memory_space<hbm>>
      %dma_wait3A_589 = arith.constant 0 : i32
      %dma_wait3A_590 = tpu.memref_slice %arg7[%dma_wait3A_579, %dma_wait3A_589] : memref<2x4096xf32, #tpu.memory_space<vmem>> -> memref<1x4096xf32, #tpu.memory_space<vmem>>
      %dma_wait3A_591 = tpu.memref_squeeze %dma_wait3A_590 : memref<1x4096xf32, #tpu.memory_space<vmem>> -> memref<4096xf32, #tpu.memory_space<vmem>>
      tpu.wait_dma2 semaphore(%arg14 : memref<!tpu.dma_semaphore, #tpu.memory_space<semaphore_mem>>) src(%dma_wait3A_591 : memref<4096xf32, #tpu.memory_space<vmem>>) dst(%dma_wait3A_588 : memref<4096xf32, #tpu.memory_space<hbm>>)
      %parallel_loop3A_592 = arith.constant 0 : i32
      %parallel_loop3A_593 = arith.constant 4096 : i32
      %parallel_loop3A_594 = arith.constant 16 : i32
      scf.for %parallel_loop3A_735 = %parallel_loop3A_592 to %parallel_loop3A_593 step %parallel_loop3A_594  : i32 {
        %parallel_loop3A_736 = arith.constant 1 : i32
        %parallel_loop3A_737 = arith.index_cast %parallel_loop3A_736 : i32 to index
        %parallel_loop3A_738 = arith.index_cast %parallel_loop3A_735 : i32 to index
        %parallel_loop3A_739 = tpu.vector_load %arg6[%parallel_loop3A_737, %parallel_loop3A_738] {strides = array<i32>} : memref<4x4096xi32, #tpu.memory_space<vmem>>, vector<16xi32>,
        %parallel_loop3A_740 = tpu.vector_load_idx %arg5[%parallel_loop3A_739] : memref<100000xf32, #tpu.memory_space<vmem>>[vector<16xi32>], vector<16xf32>,
        %parallel_loop3A_741 = arith.constant 1 : i32
        %parallel_loop3A_742 = arith.index_cast %parallel_loop3A_741 : i32 to index
        %parallel_loop3A_743 = arith.index_cast %parallel_loop3A_735 : i32 to index
        %parallel_loop3A_744 = tpu.vector_load %arg7[%parallel_loop3A_742, %parallel_loop3A_743] {strides = array<i32>} : memref<2x4096xf32, #tpu.memory_space<vmem>>, vector<16xf32>,
        tpu.vector_store %arg7[%parallel_loop3A_742, %parallel_loop3A_743], %parallel_loop3A_740 {strides = array<i32>} : memref<2x4096xf32, #tpu.memory_space<vmem>>, vector<16xf32>,
      } {sc.loop_unroll_factor = 8 : i64, sc.parallel_access}
      %dma_start3A_595 = arith.constant 1 : i32
      %dma_start3A_596 = arith.constant 0 : i32
      %dma_start3A_597 = tpu.memref_slice %arg7[%dma_start3A_595, %dma_start3A_596] : memref<2x4096xf32, #tpu.memory_space<vmem>> -> memref<1x4096xf32, #tpu.memory_space<vmem>>
      %dma_start3A_598 = tpu.memref_squeeze %dma_start3A_597 : memref<1x4096xf32, #tpu.memory_space<vmem>> -> memref<4096xf32, #tpu.memory_space<vmem>>
      %dma_start3A_599 = arith.constant 4096 : i32
      %dma_start3A_600 = tpu.memref_slice %arg4[%add3A_510, %dma_start3A_599] : memref<832x16384xf32, #tpu.memory_space<hbm>> -> memref<1x4096xf32, #tpu.memory_space<hbm>>
      %dma_start3A_601 = tpu.memref_squeeze %dma_start3A_600 : memref<1x4096xf32, #tpu.memory_space<hbm>> -> memref<4096xf32, #tpu.memory_space<hbm>>
      %dma_start3A_602 = arith.constant 4096 : i32
      %dma_start3A_603 = tpu.memref_slice %arg4[%add3A_510, %dma_start3A_602] : memref<832x16384xf32, #tpu.memory_space<hbm>> -> memref<1x4096xf32, #tpu.memory_space<hbm>>
      %dma_start3A_604 = tpu.memref_squeeze %dma_start3A_603 : memref<1x4096xf32, #tpu.memory_space<hbm>> -> memref<4096xf32, #tpu.memory_space<hbm>>
      %dma_start3A_605 = arith.constant 0 : i32
      %dma_start3A_606 = tpu.memref_slice %arg7[%dma_start3A_595, %dma_start3A_605] : memref<2x4096xf32, #tpu.memory_space<vmem>> -> memref<1x4096xf32, #tpu.memory_space<vmem>>
      %dma_start3A_607 = tpu.memref_squeeze %dma_start3A_606 : memref<1x4096xf32, #tpu.memory_space<vmem>> -> memref<4096xf32, #tpu.memory_space<vmem>>
      tpu.enqueue_dma source(%dma_start3A_607 : memref<4096xf32, #tpu.memory_space<vmem>>) target(%dma_start3A_604 : memref<4096xf32, #tpu.memory_space<hbm>>) target_semaphore(%arg14 : memref<!tpu.dma_semaphore, #tpu.memory_space<semaphore_mem>>)
      %dma_start3A_608 = arith.constant 3 : i32
      %dma_start3A_609 = arith.constant 0 : i32
      %dma_start3A_610 = tpu.memref_slice %arg6[%dma_start3A_608, %dma_start3A_609] : memref<4x4096xi32, #tpu.memory_space<vmem>> -> memref<1x4096xi32, #tpu.memory_space<vmem>>
      %dma_start3A_611 = tpu.memref_squeeze %dma_start3A_610 : memref<1x4096xi32, #tpu.memory_space<vmem>> -> memref<4096xi32, #tpu.memory_space<vmem>>
      %dma_start3A_612 = arith.constant 12288 : i32
      %dma_start3A_613 = tpu.memref_slice %arg2[%scan3A_495, %dma_start3A_612] : memref<26x16384xi32, #tpu.memory_space<hbm>> -> memref<1x4096xi32, #tpu.memory_space<hbm>>
      %dma_start3A_614 = tpu.memref_squeeze %dma_start3A_613 : memref<1x4096xi32, #tpu.memory_space<hbm>> -> memref<4096xi32, #tpu.memory_space<hbm>>
      %dma_start3A_615 = arith.constant 0 : i32
      %dma_start3A_616 = tpu.memref_slice %arg6[%dma_start3A_608, %dma_start3A_615] : memref<4x4096xi32, #tpu.memory_space<vmem>> -> memref<1x4096xi32, #tpu.memory_space<vmem>>
      %dma_start3A_617 = tpu.memref_squeeze %dma_start3A_616 : memref<1x4096xi32, #tpu.memory_space<vmem>> -> memref<4096xi32, #tpu.memory_space<vmem>>
      %dma_start3A_618 = arith.constant 12288 : i32
      %dma_start3A_619 = tpu.memref_slice %arg2[%scan3A_495, %dma_start3A_618] : memref<26x16384xi32, #tpu.memory_space<hbm>> -> memref<1x4096xi32, #tpu.memory_space<hbm>>
      %dma_start3A_620 = tpu.memref_squeeze %dma_start3A_619 : memref<1x4096xi32, #tpu.memory_space<hbm>> -> memref<4096xi32, #tpu.memory_space<hbm>>
      tpu.enqueue_dma source(%dma_start3A_620 : memref<4096xi32, #tpu.memory_space<hbm>>) target(%dma_start3A_617 : memref<4096xi32, #tpu.memory_space<vmem>>) target_semaphore(%arg12 : memref<!tpu.dma_semaphore, #tpu.memory_space<semaphore_mem>>)
      %dma_wait3A_621 = arith.constant 2 : i32
      %dma_wait3A_622 = arith.constant 0 : i32
      %dma_wait3A_623 = tpu.memref_slice %arg6[%dma_wait3A_621, %dma_wait3A_622] : memref<4x4096xi32, #tpu.memory_space<vmem>> -> memref<1x4096xi32, #tpu.memory_space<vmem>>
      %dma_wait3A_624 = tpu.memref_squeeze %dma_wait3A_623 : memref<1x4096xi32, #tpu.memory_space<vmem>> -> memref<4096xi32, #tpu.memory_space<vmem>>
      %dma_wait3A_625 = arith.constant 8192 : i32
      %dma_wait3A_626 = tpu.memref_slice %arg2[%scan3A_495, %dma_wait3A_625] : memref<26x16384xi32, #tpu.memory_space<hbm>> -> memref<1x4096xi32, #tpu.memory_space<hbm>>
      %dma_wait3A_627 = tpu.memref_squeeze %dma_wait3A_626 : memref<1x4096xi32, #tpu.memory_space<hbm>> -> memref<4096xi32, #tpu.memory_space<hbm>>
      %dma_wait3A_628 = arith.constant 0 : i32
      %dma_wait3A_629 = tpu.memref_slice %arg6[%dma_wait3A_621, %dma_wait3A_628] : memref<4x4096xi32, #tpu.memory_space<vmem>> -> memref<1x4096xi32, #tpu.memory_space<vmem>>
      %dma_wait3A_630 = tpu.memref_squeeze %dma_wait3A_629 : memref<1x4096xi32, #tpu.memory_space<vmem>> -> memref<4096xi32, #tpu.memory_space<vmem>>
      %dma_wait3A_631 = arith.constant 8192 : i32
      %dma_wait3A_632 = tpu.memref_slice %arg2[%scan3A_495, %dma_wait3A_631] : memref<26x16384xi32, #tpu.memory_space<hbm>> -> memref<1x4096xi32, #tpu.memory_space<hbm>>
      %dma_wait3A_633 = tpu.memref_squeeze %dma_wait3A_632 : memref<1x4096xi32, #tpu.memory_space<hbm>> -> memref<4096xi32, #tpu.memory_space<hbm>>
      tpu.wait_dma2 semaphore(%arg11 : memref<!tpu.dma_semaphore, #tpu.memory_space<semaphore_mem>>) src(%dma_wait3A_633 : memref<4096xi32, #tpu.memory_space<hbm>>) dst(%dma_wait3A_630 : memref<4096xi32, #tpu.memory_space<vmem>>)
      %dma_wait3A_634 = arith.constant 0 : i32
      %dma_wait3A_635 = arith.constant 0 : i32
      %dma_wait3A_636 = tpu.memref_slice %arg7[%dma_wait3A_634, %dma_wait3A_635] : memref<2x4096xf32, #tpu.memory_space<vmem>> -> memref<1x4096xf32, #tpu.memory_space<vmem>>
      %dma_wait3A_637 = tpu.memref_squeeze %dma_wait3A_636 : memref<1x4096xf32, #tpu.memory_space<vmem>> -> memref<4096xf32, #tpu.memory_space<vmem>>
      %dma_wait3A_638 = arith.constant 8192 : i32
      %dma_wait3A_639 = tpu.memref_slice %arg4[%add3A_510, %dma_wait3A_638] : memref<832x16384xf32, #tpu.memory_space<hbm>> -> memref<1x4096xf32, #tpu.memory_space<hbm>>
      %dma_wait3A_640 = tpu.memref_squeeze %dma_wait3A_639 : memref<1x4096xf32, #tpu.memory_space<hbm>> -> memref<4096xf32, #tpu.memory_space<hbm>>
      %dma_wait3A_641 = arith.constant 8192 : i32
      %dma_wait3A_642 = tpu.memref_slice %arg4[%add3A_510, %dma_wait3A_641] : memref<832x16384xf32, #tpu.memory_space<hbm>> -> memref<1x4096xf32, #tpu.memory_space<hbm>>
      %dma_wait3A_643 = tpu.memref_squeeze %dma_wait3A_642 : memref<1x4096xf32, #tpu.memory_space<hbm>> -> memref<4096xf32, #tpu.memory_space<hbm>>
      %dma_wait3A_644 = arith.constant 0 : i32
      %dma_wait3A_645 = tpu.memref_slice %arg7[%dma_wait3A_634, %dma_wait3A_644] : memref<2x4096xf32, #tpu.memory_space<vmem>> -> memref<1x4096xf32, #tpu.memory_space<vmem>>
      %dma_wait3A_646 = tpu.memref_squeeze %dma_wait3A_645 : memref<1x4096xf32, #tpu.memory_space<vmem>> -> memref<4096xf32, #tpu.memory_space<vmem>>
      tpu.wait_dma2 semaphore(%arg13 : memref<!tpu.dma_semaphore, #tpu.memory_space<semaphore_mem>>) src(%dma_wait3A_646 : memref<4096xf32, #tpu.memory_space<vmem>>) dst(%dma_wait3A_643 : memref<4096xf32, #tpu.memory_space<hbm>>)
      %parallel_loop3A_647 = arith.constant 0 : i32
      %parallel_loop3A_648 = arith.constant 4096 : i32
      %parallel_loop3A_649 = arith.constant 16 : i32
      scf.for %parallel_loop3A_735 = %parallel_loop3A_647 to %parallel_loop3A_648 step %parallel_loop3A_649  : i32 {
        %parallel_loop3A_736 = arith.constant 2 : i32
        %parallel_loop3A_737 = arith.index_cast %parallel_loop3A_736 : i32 to index
        %parallel_loop3A_738 = arith.index_cast %parallel_loop3A_735 : i32 to index
        %parallel_loop3A_739 = tpu.vector_load %arg6[%parallel_loop3A_737, %parallel_loop3A_738] {strides = array<i32>} : memref<4x4096xi32, #tpu.memory_space<vmem>>, vector<16xi32>,
        %parallel_loop3A_740 = tpu.vector_load_idx %arg5[%parallel_loop3A_739] : memref<100000xf32, #tpu.memory_space<vmem>>[vector<16xi32>], vector<16xf32>,
        %parallel_loop3A_741 = arith.constant 0 : i32
        %parallel_loop3A_742 = arith.index_cast %parallel_loop3A_741 : i32 to index
        %parallel_loop3A_743 = arith.index_cast %parallel_loop3A_735 : i32 to index
        %parallel_loop3A_744 = tpu.vector_load %arg7[%parallel_loop3A_742, %parallel_loop3A_743] {strides = array<i32>} : memref<2x4096xf32, #tpu.memory_space<vmem>>, vector<16xf32>,
        tpu.vector_store %arg7[%parallel_loop3A_742, %parallel_loop3A_743], %parallel_loop3A_740 {strides = array<i32>} : memref<2x4096xf32, #tpu.memory_space<vmem>>, vector<16xf32>,
      } {sc.loop_unroll_factor = 8 : i64, sc.parallel_access}
      %dma_start3A_650 = arith.constant 0 : i32
      %dma_start3A_651 = arith.constant 0 : i32
      %dma_start3A_652 = tpu.memref_slice %arg7[%dma_start3A_650, %dma_start3A_651] : memref<2x4096xf32, #tpu.memory_space<vmem>> -> memref<1x4096xf32, #tpu.memory_space<vmem>>
      %dma_start3A_653 = tpu.memref_squeeze %dma_start3A_652 : memref<1x4096xf32, #tpu.memory_space<vmem>> -> memref<4096xf32, #tpu.memory_space<vmem>>
      %dma_start3A_654 = arith.constant 8192 : i32
      %dma_start3A_655 = tpu.memref_slice %arg4[%add3A_510, %dma_start3A_654] : memref<832x16384xf32, #tpu.memory_space<hbm>> -> memref<1x4096xf32, #tpu.memory_space<hbm>>
      %dma_start3A_656 = tpu.memref_squeeze %dma_start3A_655 : memref<1x4096xf32, #tpu.memory_space<hbm>> -> memref<4096xf32, #tpu.memory_space<hbm>>
      %dma_start3A_657 = arith.constant 8192 : i32
      %dma_start3A_658 = tpu.memref_slice %arg4[%add3A_510, %dma_start3A_657] : memref<832x16384xf32, #tpu.memory_space<hbm>> -> memref<1x4096xf32, #tpu.memory_space<hbm>>
      %dma_start3A_659 = tpu.memref_squeeze %dma_start3A_658 : memref<1x4096xf32, #tpu.memory_space<hbm>> -> memref<4096xf32, #tpu.memory_space<hbm>>
      %dma_start3A_660 = arith.constant 0 : i32
      %dma_start3A_661 = tpu.memref_slice %arg7[%dma_start3A_650, %dma_start3A_660] : memref<2x4096xf32, #tpu.memory_space<vmem>> -> memref<1x4096xf32, #tpu.memory_space<vmem>>
      %dma_start3A_662 = tpu.memref_squeeze %dma_start3A_661 : memref<1x4096xf32, #tpu.memory_space<vmem>> -> memref<4096xf32, #tpu.memory_space<vmem>>
      tpu.enqueue_dma source(%dma_start3A_662 : memref<4096xf32, #tpu.memory_space<vmem>>) target(%dma_start3A_659 : memref<4096xf32, #tpu.memory_space<hbm>>) target_semaphore(%arg13 : memref<!tpu.dma_semaphore, #tpu.memory_space<semaphore_mem>>)
      %add3A_663 = arith.constant 1 : i32
      %add3A_664 = arith.addi %scan3A_495, %add3A_663 : i32
      %dma_start3A_665 = arith.constant 0 : i32
      %dma_start3A_666 = arith.constant 0 : i32
      %dma_start3A_667 = tpu.memref_slice %arg6[%dma_start3A_665, %dma_start3A_666] : memref<4x4096xi32, #tpu.memory_space<vmem>> -> memref<1x4096xi32, #tpu.memory_space<vmem>>
      %dma_start3A_668 = tpu.memref_squeeze %dma_start3A_667 : memref<1x4096xi32, #tpu.memory_space<vmem>> -> memref<4096xi32, #tpu.memory_space<vmem>>
      %dma_start3A_669 = arith.constant 0 : i32
      %dma_start3A_670 = tpu.memref_slice %arg2[%add3A_664, %dma_start3A_669] : memref<26x16384xi32, #tpu.memory_space<hbm>> -> memref<1x4096xi32, #tpu.memory_space<hbm>>
      %dma_start3A_671 = tpu.memref_squeeze %dma_start3A_670 : memref<1x4096xi32, #tpu.memory_space<hbm>> -> memref<4096xi32, #tpu.memory_space<hbm>>
      %dma_start3A_672 = arith.constant 0 : i32
      %dma_start3A_673 = tpu.memref_slice %arg6[%dma_start3A_665, %dma_start3A_672] : memref<4x4096xi32, #tpu.memory_space<vmem>> -> memref<1x4096xi32, #tpu.memory_space<vmem>>
      %dma_start3A_674 = tpu.memref_squeeze %dma_start3A_673 : memref<1x4096xi32, #tpu.memory_space<vmem>> -> memref<4096xi32, #tpu.memory_space<vmem>>
      %dma_start3A_675 = arith.constant 0 : i32
      %dma_start3A_676 = tpu.memref_slice %arg2[%add3A_664, %dma_start3A_675] : memref<26x16384xi32, #tpu.memory_space<hbm>> -> memref<1x4096xi32, #tpu.memory_space<hbm>>
      %dma_start3A_677 = tpu.memref_squeeze %dma_start3A_676 : memref<1x4096xi32, #tpu.memory_space<hbm>> -> memref<4096xi32, #tpu.memory_space<hbm>>
      tpu.enqueue_dma source(%dma_start3A_677 : memref<4096xi32, #tpu.memory_space<hbm>>) target(%dma_start3A_674 : memref<4096xi32, #tpu.memory_space<vmem>>) target_semaphore(%arg9 : memref<!tpu.dma_semaphore, #tpu.memory_space<semaphore_mem>>)
      %dma_wait3A_678 = arith.constant 3 : i32
      %dma_wait3A_679 = arith.constant 0 : i32
      %dma_wait3A_680 = tpu.memref_slice %arg6[%dma_wait3A_678, %dma_wait3A_679] : memref<4x4096xi32, #tpu.memory_space<vmem>> -> memref<1x4096xi32, #tpu.memory_space<vmem>>
      %dma_wait3A_681 = tpu.memref_squeeze %dma_wait3A_680 : memref<1x4096xi32, #tpu.memory_space<vmem>> -> memref<4096xi32, #tpu.memory_space<vmem>>
      %dma_wait3A_682 = arith.constant 12288 : i32
      %dma_wait3A_683 = tpu.memref_slice %arg2[%scan3A_495, %dma_wait3A_682] : memref<26x16384xi32, #tpu.memory_space<hbm>> -> memref<1x4096xi32, #tpu.memory_space<hbm>>
      %dma_wait3A_684 = tpu.memref_squeeze %dma_wait3A_683 : memref<1x4096xi32, #tpu.memory_space<hbm>> -> memref<4096xi32, #tpu.memory_space<hbm>>
      %dma_wait3A_685 = arith.constant 0 : i32
      %dma_wait3A_686 = tpu.memref_slice %arg6[%dma_wait3A_678, %dma_wait3A_685] : memref<4x4096xi32, #tpu.memory_space<vmem>> -> memref<1x4096xi32, #tpu.memory_space<vmem>>
      %dma_wait3A_687 = tpu.memref_squeeze %dma_wait3A_686 : memref<1x4096xi32, #tpu.memory_space<vmem>> -> memref<4096xi32, #tpu.memory_space<vmem>>
      %dma_wait3A_688 = arith.constant 12288 : i32
      %dma_wait3A_689 = tpu.memref_slice %arg2[%scan3A_495, %dma_wait3A_688] : memref<26x16384xi32, #tpu.memory_space<hbm>> -> memref<1x4096xi32, #tpu.memory_space<hbm>>
      %dma_wait3A_690 = tpu.memref_squeeze %dma_wait3A_689 : memref<1x4096xi32, #tpu.memory_space<hbm>> -> memref<4096xi32, #tpu.memory_space<hbm>>
      tpu.wait_dma2 semaphore(%arg12 : memref<!tpu.dma_semaphore, #tpu.memory_space<semaphore_mem>>) src(%dma_wait3A_690 : memref<4096xi32, #tpu.memory_space<hbm>>) dst(%dma_wait3A_687 : memref<4096xi32, #tpu.memory_space<vmem>>)
      %dma_wait3A_691 = arith.constant 1 : i32
      %dma_wait3A_692 = arith.constant 0 : i32
      %dma_wait3A_693 = tpu.memref_slice %arg7[%dma_wait3A_691, %dma_wait3A_692] : memref<2x4096xf32, #tpu.memory_space<vmem>> -> memref<1x4096xf32, #tpu.memory_space<vmem>>
      %dma_wait3A_694 = tpu.memref_squeeze %dma_wait3A_693 : memref<1x4096xf32, #tpu.memory_space<vmem>> -> memref<4096xf32, #tpu.memory_space<vmem>>
      %dma_wait3A_695 = arith.constant 12288 : i32
      %dma_wait3A_696 = tpu.memref_slice %arg4[%add3A_510, %dma_wait3A_695] : memref<832x16384xf32, #tpu.memory_space<hbm>> -> memref<1x4096xf32, #tpu.memory_space<hbm>>
      %dma_wait3A_697 = tpu.memref_squeeze %dma_wait3A_696 : memref<1x4096xf32, #tpu.memory_space<hbm>> -> memref<4096xf32, #tpu.memory_space<hbm>>
      %dma_wait3A_698 = arith.constant 12288 : i32
      %dma_wait3A_699 = tpu.memref_slice %arg4[%add3A_510, %dma_wait3A_698] : memref<832x16384xf32, #tpu.memory_space<hbm>> -> memref<1x4096xf32, #tpu.memory_space<hbm>>
      %dma_wait3A_700 = tpu.memref_squeeze %dma_wait3A_699 : memref<1x4096xf32, #tpu.memory_space<hbm>> -> memref<4096xf32, #tpu.memory_space<hbm>>
      %dma_wait3A_701 = arith.constant 0 : i32
      %dma_wait3A_702 = tpu.memref_slice %arg7[%dma_wait3A_691, %dma_wait3A_701] : memref<2x4096xf32, #tpu.memory_space<vmem>> -> memref<1x4096xf32, #tpu.memory_space<vmem>>
      %dma_wait3A_703 = tpu.memref_squeeze %dma_wait3A_702 : memref<1x4096xf32, #tpu.memory_space<vmem>> -> memref<4096xf32, #tpu.memory_space<vmem>>
      tpu.wait_dma2 semaphore(%arg14 : memref<!tpu.dma_semaphore, #tpu.memory_space<semaphore_mem>>) src(%dma_wait3A_703 : memref<4096xf32, #tpu.memory_space<vmem>>) dst(%dma_wait3A_700 : memref<4096xf32, #tpu.memory_space<hbm>>)
      %parallel_loop3A_704 = arith.constant 0 : i32
      %parallel_loop3A_705 = arith.constant 4096 : i32
      %parallel_loop3A_706 = arith.constant 16 : i32
      scf.for %parallel_loop3A_735 = %parallel_loop3A_704 to %parallel_loop3A_705 step %parallel_loop3A_706  : i32 {
        %parallel_loop3A_736 = arith.constant 3 : i32
        %parallel_loop3A_737 = arith.index_cast %parallel_loop3A_736 : i32 to index
        %parallel_loop3A_738 = arith.index_cast %parallel_loop3A_735 : i32 to index
        %parallel_loop3A_739 = tpu.vector_load %arg6[%parallel_loop3A_737, %parallel_loop3A_738] {strides = array<i32>} : memref<4x4096xi32, #tpu.memory_space<vmem>>, vector<16xi32>,
        %parallel_loop3A_740 = tpu.vector_load_idx %arg5[%parallel_loop3A_739] : memref<100000xf32, #tpu.memory_space<vmem>>[vector<16xi32>], vector<16xf32>,
        %parallel_loop3A_741 = arith.constant 1 : i32
        %parallel_loop3A_742 = arith.index_cast %parallel_loop3A_741 : i32 to index
        %parallel_loop3A_743 = arith.index_cast %parallel_loop3A_735 : i32 to index
        %parallel_loop3A_744 = tpu.vector_load %arg7[%parallel_loop3A_742, %parallel_loop3A_743] {strides = array<i32>} : memref<2x4096xf32, #tpu.memory_space<vmem>>, vector<16xf32>,
        tpu.vector_store %arg7[%parallel_loop3A_742, %parallel_loop3A_743], %parallel_loop3A_740 {strides = array<i32>} : memref<2x4096xf32, #tpu.memory_space<vmem>>, vector<16xf32>,
      } {sc.loop_unroll_factor = 8 : i64, sc.parallel_access}
      %dma_start3A_707 = arith.constant 1 : i32
      %dma_start3A_708 = arith.constant 0 : i32
      %dma_start3A_709 = tpu.memref_slice %arg7[%dma_start3A_707, %dma_start3A_708] : memref<2x4096xf32, #tpu.memory_space<vmem>> -> memref<1x4096xf32, #tpu.memory_space<vmem>>
      %dma_start3A_710 = tpu.memref_squeeze %dma_start3A_709 : memref<1x4096xf32, #tpu.memory_space<vmem>> -> memref<4096xf32, #tpu.memory_space<vmem>>
      %dma_start3A_711 = arith.constant 12288 : i32
      %dma_start3A_712 = tpu.memref_slice %arg4[%add3A_510, %dma_start3A_711] : memref<832x16384xf32, #tpu.memory_space<hbm>> -> memref<1x4096xf32, #tpu.memory_space<hbm>>
      %dma_start3A_713 = tpu.memref_squeeze %dma_start3A_712 : memref<1x4096xf32, #tpu.memory_space<hbm>> -> memref<4096xf32, #tpu.memory_space<hbm>>
      %dma_start3A_714 = arith.constant 12288 : i32
      %dma_start3A_715 = tpu.memref_slice %arg4[%add3A_510, %dma_start3A_714] : memref<832x16384xf32, #tpu.memory_space<hbm>> -> memref<1x4096xf32, #tpu.memory_space<hbm>>
      %dma_start3A_716 = tpu.memref_squeeze %dma_start3A_715 : memref<1x4096xf32, #tpu.memory_space<hbm>> -> memref<4096xf32, #tpu.memory_space<hbm>>
      %dma_start3A_717 = arith.constant 0 : i32
      %dma_start3A_718 = tpu.memref_slice %arg7[%dma_start3A_707, %dma_start3A_717] : memref<2x4096xf32, #tpu.memory_space<vmem>> -> memref<1x4096xf32, #tpu.memory_space<vmem>>
      %dma_start3A_719 = tpu.memref_squeeze %dma_start3A_718 : memref<1x4096xf32, #tpu.memory_space<vmem>> -> memref<4096xf32, #tpu.memory_space<vmem>>
      tpu.enqueue_dma source(%dma_start3A_719 : memref<4096xf32, #tpu.memory_space<vmem>>) target(%dma_start3A_716 : memref<4096xf32, #tpu.memory_space<hbm>>) target_semaphore(%arg14 : memref<!tpu.dma_semaphore, #tpu.memory_space<semaphore_mem>>)
      %add3A_720 = arith.constant 1 : i32
      %add3A_721 = arith.addi %scan3A_495, %add3A_720 : i32
      %dma_start3A_722 = arith.constant 1 : i32
      %dma_start3A_723 = arith.constant 0 : i32
      %dma_start3A_724 = tpu.memref_slice %arg6[%dma_start3A_722, %dma_start3A_723] : memref<4x4096xi32, #tpu.memory_space<vmem>> -> memref<1x4096xi32, #tpu.memory_space<vmem>>
      %dma_start3A_725 = tpu.memref_squeeze %dma_start3A_724 : memref<1x4096xi32, #tpu.memory_space<vmem>> -> memref<4096xi32, #tpu.memory_space<vmem>>
      %dma_start3A_726 = arith.constant 4096 : i32
      %dma_start3A_727 = tpu.memref_slice %arg2[%add3A_721, %dma_start3A_726] : memref<26x16384xi32, #tpu.memory_space<hbm>> -> memref<1x4096xi32, #tpu.memory_space<hbm>>
      %dma_start3A_728 = tpu.memref_squeeze %dma_start3A_727 : memref<1x4096xi32, #tpu.memory_space<hbm>> -> memref<4096xi32, #tpu.memory_space<hbm>>
      %dma_start3A_729 = arith.constant 0 : i32
      %dma_start3A_730 = tpu.memref_slice %arg6[%dma_start3A_722, %dma_start3A_729] : memref<4x4096xi32, #tpu.memory_space<vmem>> -> memref<1x4096xi32, #tpu.memory_space<vmem>>
      %dma_start3A_731 = tpu.memref_squeeze %dma_start3A_730 : memref<1x4096xi32, #tpu.memory_space<vmem>> -> memref<4096xi32, #tpu.memory_space<vmem>>
      %dma_start3A_732 = arith.constant 4096 : i32
      %dma_start3A_733 = tpu.memref_slice %arg2[%add3A_721, %dma_start3A_732] : memref<26x16384xi32, #tpu.memory_space<hbm>> -> memref<1x4096xi32, #tpu.memory_space<hbm>>
      %dma_start3A_734 = tpu.memref_squeeze %dma_start3A_733 : memref<1x4096xi32, #tpu.memory_space<hbm>> -> memref<4096xi32, #tpu.memory_space<hbm>>
      tpu.enqueue_dma source(%dma_start3A_734 : memref<4096xi32, #tpu.memory_space<hbm>>) target(%dma_start3A_731 : memref<4096xi32, #tpu.memory_space<vmem>>) target_semaphore(%arg10 : memref<!tpu.dma_semaphore, #tpu.memory_space<semaphore_mem>>)
    }
    %scan3A_248 = arith.constant 24 : i32
    %dma_start3A_249 = arith.constant 25 : i32
    %dma_start3A_250 = arith.constant 0 : i32
    %dma_start3A_251 = tpu.memref_slice %arg3[%dma_start3A_249, %add3A, %dma_start3A_250] : memref<26x32x100000xf32, #tpu.memory_space<hbm>> -> memref<1x1x100000xf32, #tpu.memory_space<hbm>>
    %dma_start3A_252 = tpu.memref_squeeze %dma_start3A_251 : memref<1x1x100000xf32, #tpu.memory_space<hbm>> -> memref<100000xf32, #tpu.memory_space<hbm>>
    %dma_start3A_253 = arith.constant 0 : i32
    %dma_start3A_254 = tpu.memref_slice %arg3[%dma_start3A_249, %add3A, %dma_start3A_253] : memref<26x32x100000xf32, #tpu.memory_space<hbm>> -> memref<1x1x100000xf32, #tpu.memory_space<hbm>>
    %dma_start3A_255 = tpu.memref_squeeze %dma_start3A_254 : memref<1x1x100000xf32, #tpu.memory_space<hbm>> -> memref<100000xf32, #tpu.memory_space<hbm>>
    tpu.enqueue_dma source(%dma_start3A_255 : memref<100000xf32, #tpu.memory_space<hbm>>) target(%arg5 : memref<100000xf32, #tpu.memory_space<vmem>>) target_semaphore(%arg8 : memref<!tpu.dma_semaphore, #tpu.memory_space<semaphore_mem>>)
    %dma_wait3A_256 = arith.constant 25 : i32
    %dma_wait3A_257 = arith.constant 0 : i32
    %dma_wait3A_258 = tpu.memref_slice %arg3[%dma_wait3A_256, %add3A, %dma_wait3A_257] : memref<26x32x100000xf32, #tpu.memory_space<hbm>> -> memref<1x1x100000xf32, #tpu.memory_space<hbm>>
    %dma_wait3A_259 = tpu.memref_squeeze %dma_wait3A_258 : memref<1x1x100000xf32, #tpu.memory_space<hbm>> -> memref<100000xf32, #tpu.memory_space<hbm>>
    %dma_wait3A_260 = arith.constant 0 : i32
    %dma_wait3A_261 = tpu.memref_slice %arg3[%dma_wait3A_256, %add3A, %dma_wait3A_260] : memref<26x32x100000xf32, #tpu.memory_space<hbm>> -> memref<1x1x100000xf32, #tpu.memory_space<hbm>>
    %dma_wait3A_262 = tpu.memref_squeeze %dma_wait3A_261 : memref<1x1x100000xf32, #tpu.memory_space<hbm>> -> memref<100000xf32, #tpu.memory_space<hbm>>
    tpu.wait_dma2 semaphore(%arg8 : memref<!tpu.dma_semaphore, #tpu.memory_space<semaphore_mem>>) src(%dma_wait3A_262 : memref<100000xf32, #tpu.memory_space<hbm>>) dst(%arg5 : memref<100000xf32, #tpu.memory_space<vmem>>)
    %add3A_263 = arith.constant 800 : i32
    %add3A_264 = arith.addi %add3A_263, %add3A : i32
    %dma_wait3A_265 = arith.constant 25 : i32
    %dma_wait3A_266 = arith.constant 0 : i32
    %dma_wait3A_267 = arith.constant 0 : i32
    %dma_wait3A_268 = tpu.memref_slice %arg6[%dma_wait3A_266, %dma_wait3A_267] : memref<4x4096xi32, #tpu.memory_space<vmem>> -> memref<1x4096xi32, #tpu.memory_space<vmem>>
    %dma_wait3A_269 = tpu.memref_squeeze %dma_wait3A_268 : memref<1x4096xi32, #tpu.memory_space<vmem>> -> memref<4096xi32, #tpu.memory_space<vmem>>
    %dma_wait3A_270 = arith.constant 0 : i32
    %dma_wait3A_271 = tpu.memref_slice %arg2[%dma_wait3A_265, %dma_wait3A_270] : memref<26x16384xi32, #tpu.memory_space<hbm>> -> memref<1x4096xi32, #tpu.memory_space<hbm>>
    %dma_wait3A_272 = tpu.memref_squeeze %dma_wait3A_271 : memref<1x4096xi32, #tpu.memory_space<hbm>> -> memref<4096xi32, #tpu.memory_space<hbm>>
    %dma_wait3A_273 = arith.constant 0 : i32
    %dma_wait3A_274 = tpu.memref_slice %arg6[%dma_wait3A_266, %dma_wait3A_273] : memref<4x4096xi32, #tpu.memory_space<vmem>> -> memref<1x4096xi32, #tpu.memory_space<vmem>>
    %dma_wait3A_275 = tpu.memref_squeeze %dma_wait3A_274 : memref<1x4096xi32, #tpu.memory_space<vmem>> -> memref<4096xi32, #tpu.memory_space<vmem>>
    %dma_wait3A_276 = arith.constant 0 : i32
    %dma_wait3A_277 = tpu.memref_slice %arg2[%dma_wait3A_265, %dma_wait3A_276] : memref<26x16384xi32, #tpu.memory_space<hbm>> -> memref<1x4096xi32, #tpu.memory_space<hbm>>
    %dma_wait3A_278 = tpu.memref_squeeze %dma_wait3A_277 : memref<1x4096xi32, #tpu.memory_space<hbm>> -> memref<4096xi32, #tpu.memory_space<hbm>>
    tpu.wait_dma2 semaphore(%arg9 : memref<!tpu.dma_semaphore, #tpu.memory_space<semaphore_mem>>) src(%dma_wait3A_278 : memref<4096xi32, #tpu.memory_space<hbm>>) dst(%dma_wait3A_275 : memref<4096xi32, #tpu.memory_space<vmem>>)
    %dma_wait3A_279 = arith.constant 0 : i32
    %dma_wait3A_280 = arith.constant 0 : i32
    %dma_wait3A_281 = tpu.memref_slice %arg7[%dma_wait3A_279, %dma_wait3A_280] : memref<2x4096xf32, #tpu.memory_space<vmem>> -> memref<1x4096xf32, #tpu.memory_space<vmem>>
    %dma_wait3A_282 = tpu.memref_squeeze %dma_wait3A_281 : memref<1x4096xf32, #tpu.memory_space<vmem>> -> memref<4096xf32, #tpu.memory_space<vmem>>
    %dma_wait3A_283 = arith.constant 0 : i32
    %dma_wait3A_284 = tpu.memref_slice %arg4[%add3A_264, %dma_wait3A_283] : memref<832x16384xf32, #tpu.memory_space<hbm>> -> memref<1x4096xf32, #tpu.memory_space<hbm>>
    %dma_wait3A_285 = tpu.memref_squeeze %dma_wait3A_284 : memref<1x4096xf32, #tpu.memory_space<hbm>> -> memref<4096xf32, #tpu.memory_space<hbm>>
    %dma_wait3A_286 = arith.constant 0 : i32
    %dma_wait3A_287 = tpu.memref_slice %arg4[%add3A_264, %dma_wait3A_286] : memref<832x16384xf32, #tpu.memory_space<hbm>> -> memref<1x4096xf32, #tpu.memory_space<hbm>>
    %dma_wait3A_288 = tpu.memref_squeeze %dma_wait3A_287 : memref<1x4096xf32, #tpu.memory_space<hbm>> -> memref<4096xf32, #tpu.memory_space<hbm>>
    %dma_wait3A_289 = arith.constant 0 : i32
    %dma_wait3A_290 = tpu.memref_slice %arg7[%dma_wait3A_279, %dma_wait3A_289] : memref<2x4096xf32, #tpu.memory_space<vmem>> -> memref<1x4096xf32, #tpu.memory_space<vmem>>
    %dma_wait3A_291 = tpu.memref_squeeze %dma_wait3A_290 : memref<1x4096xf32, #tpu.memory_space<vmem>> -> memref<4096xf32, #tpu.memory_space<vmem>>
    tpu.wait_dma2 semaphore(%arg13 : memref<!tpu.dma_semaphore, #tpu.memory_space<semaphore_mem>>) src(%dma_wait3A_291 : memref<4096xf32, #tpu.memory_space<vmem>>) dst(%dma_wait3A_288 : memref<4096xf32, #tpu.memory_space<hbm>>)
    %parallel_loop3A_292 = arith.constant 0 : i32
    %parallel_loop3A_293 = arith.constant 4096 : i32
    %parallel_loop3A_294 = arith.constant 16 : i32
    scf.for %parallel_loop3A_495 = %parallel_loop3A_292 to %parallel_loop3A_293 step %parallel_loop3A_294  : i32 {
      %parallel_loop3A_496 = arith.constant 0 : i32
      %parallel_loop3A_497 = arith.index_cast %parallel_loop3A_496 : i32 to index
      %parallel_loop3A_498 = arith.index_cast %parallel_loop3A_495 : i32 to index
      %parallel_loop3A_499 = tpu.vector_load %arg6[%parallel_loop3A_497, %parallel_loop3A_498] {strides = array<i32>} : memref<4x4096xi32, #tpu.memory_space<vmem>>, vector<16xi32>,
      %parallel_loop3A_500 = tpu.vector_load_idx %arg5[%parallel_loop3A_499] : memref<100000xf32, #tpu.memory_space<vmem>>[vector<16xi32>], vector<16xf32>,
      %parallel_loop3A_501 = arith.constant 0 : i32
      %parallel_loop3A_502 = arith.index_cast %parallel_loop3A_501 : i32 to index
      %parallel_loop3A_503 = arith.index_cast %parallel_loop3A_495 : i32 to index
      %parallel_loop3A_504 = tpu.vector_load %arg7[%parallel_loop3A_502, %parallel_loop3A_503] {strides = array<i32>} : memref<2x4096xf32, #tpu.memory_space<vmem>>, vector<16xf32>,
      tpu.vector_store %arg7[%parallel_loop3A_502, %parallel_loop3A_503], %parallel_loop3A_500 {strides = array<i32>} : memref<2x4096xf32, #tpu.memory_space<vmem>>, vector<16xf32>,
    } {sc.loop_unroll_factor = 8 : i64, sc.parallel_access}
    %dma_start3A_295 = arith.constant 0 : i32
    %dma_start3A_296 = arith.constant 0 : i32
    %dma_start3A_297 = tpu.memref_slice %arg7[%dma_start3A_295, %dma_start3A_296] : memref<2x4096xf32, #tpu.memory_space<vmem>> -> memref<1x4096xf32, #tpu.memory_space<vmem>>
    %dma_start3A_298 = tpu.memref_squeeze %dma_start3A_297 : memref<1x4096xf32, #tpu.memory_space<vmem>> -> memref<4096xf32, #tpu.memory_space<vmem>>
    %dma_start3A_299 = arith.constant 0 : i32
    %dma_start3A_300 = tpu.memref_slice %arg4[%add3A_264, %dma_start3A_299] : memref<832x16384xf32, #tpu.memory_space<hbm>> -> memref<1x4096xf32, #tpu.memory_space<hbm>>
    %dma_start3A_301 = tpu.memref_squeeze %dma_start3A_300 : memref<1x4096xf32, #tpu.memory_space<hbm>> -> memref<4096xf32, #tpu.memory_space<hbm>>
    %dma_start3A_302 = arith.constant 0 : i32
    %dma_start3A_303 = tpu.memref_slice %arg4[%add3A_264, %dma_start3A_302] : memref<832x16384xf32, #tpu.memory_space<hbm>> -> memref<1x4096xf32, #tpu.memory_space<hbm>>
    %dma_start3A_304 = tpu.memref_squeeze %dma_start3A_303 : memref<1x4096xf32, #tpu.memory_space<hbm>> -> memref<4096xf32, #tpu.memory_space<hbm>>
    %dma_start3A_305 = arith.constant 0 : i32
    %dma_start3A_306 = tpu.memref_slice %arg7[%dma_start3A_295, %dma_start3A_305] : memref<2x4096xf32, #tpu.memory_space<vmem>> -> memref<1x4096xf32, #tpu.memory_space<vmem>>
    %dma_start3A_307 = tpu.memref_squeeze %dma_start3A_306 : memref<1x4096xf32, #tpu.memory_space<vmem>> -> memref<4096xf32, #tpu.memory_space<vmem>>
    tpu.enqueue_dma source(%dma_start3A_307 : memref<4096xf32, #tpu.memory_space<vmem>>) target(%dma_start3A_304 : memref<4096xf32, #tpu.memory_space<hbm>>) target_semaphore(%arg13 : memref<!tpu.dma_semaphore, #tpu.memory_space<semaphore_mem>>)
    %dma_start3A_308 = arith.constant 25 : i32
    %dma_start3A_309 = arith.constant 2 : i32
    %dma_start3A_310 = arith.constant 0 : i32
    %dma_start3A_311 = tpu.memref_slice %arg6[%dma_start3A_309, %dma_start3A_310] : memref<4x4096xi32, #tpu.memory_space<vmem>> -> memref<1x4096xi32, #tpu.memory_space<vmem>>
    %dma_start3A_312 = tpu.memref_squeeze %dma_start3A_311 : memref<1x4096xi32, #tpu.memory_space<vmem>> -> memref<4096xi32, #tpu.memory_space<vmem>>
    %dma_start3A_313 = arith.constant 8192 : i32
    %dma_start3A_314 = tpu.memref_slice %arg2[%dma_start3A_308, %dma_start3A_313] : memref<26x16384xi32, #tpu.memory_space<hbm>> -> memref<1x4096xi32, #tpu.memory_space<hbm>>
    %dma_start3A_315 = tpu.memref_squeeze %dma_start3A_314 : memref<1x4096xi32, #tpu.memory_space<hbm>> -> memref<4096xi32, #tpu.memory_space<hbm>>
    %dma_start3A_316 = arith.constant 0 : i32
    %dma_start3A_317 = tpu.memref_slice %arg6[%dma_start3A_309, %dma_start3A_316] : memref<4x4096xi32, #tpu.memory_space<vmem>> -> memref<1x4096xi32, #tpu.memory_space<vmem>>
    %dma_start3A_318 = tpu.memref_squeeze %dma_start3A_317 : memref<1x4096xi32, #tpu.memory_space<vmem>> -> memref<4096xi32, #tpu.memory_space<vmem>>
    %dma_start3A_319 = arith.constant 8192 : i32
    %dma_start3A_320 = tpu.memref_slice %arg2[%dma_start3A_308, %dma_start3A_319] : memref<26x16384xi32, #tpu.memory_space<hbm>> -> memref<1x4096xi32, #tpu.memory_space<hbm>>
    %dma_start3A_321 = tpu.memref_squeeze %dma_start3A_320 : memref<1x4096xi32, #tpu.memory_space<hbm>> -> memref<4096xi32, #tpu.memory_space<hbm>>
    tpu.enqueue_dma source(%dma_start3A_321 : memref<4096xi32, #tpu.memory_space<hbm>>) target(%dma_start3A_318 : memref<4096xi32, #tpu.memory_space<vmem>>) target_semaphore(%arg11 : memref<!tpu.dma_semaphore, #tpu.memory_space<semaphore_mem>>)
    %dma_wait3A_322 = arith.constant 25 : i32
    %dma_wait3A_323 = arith.constant 1 : i32
    %dma_wait3A_324 = arith.constant 0 : i32
    %dma_wait3A_325 = tpu.memref_slice %arg6[%dma_wait3A_323, %dma_wait3A_324] : memref<4x4096xi32, #tpu.memory_space<vmem>> -> memref<1x4096xi32, #tpu.memory_space<vmem>>
    %dma_wait3A_326 = tpu.memref_squeeze %dma_wait3A_325 : memref<1x4096xi32, #tpu.memory_space<vmem>> -> memref<4096xi32, #tpu.memory_space<vmem>>
    %dma_wait3A_327 = arith.constant 4096 : i32
    %dma_wait3A_328 = tpu.memref_slice %arg2[%dma_wait3A_322, %dma_wait3A_327] : memref<26x16384xi32, #tpu.memory_space<hbm>> -> memref<1x4096xi32, #tpu.memory_space<hbm>>
    %dma_wait3A_329 = tpu.memref_squeeze %dma_wait3A_328 : memref<1x4096xi32, #tpu.memory_space<hbm>> -> memref<4096xi32, #tpu.memory_space<hbm>>
    %dma_wait3A_330 = arith.constant 0 : i32
    %dma_wait3A_331 = tpu.memref_slice %arg6[%dma_wait3A_323, %dma_wait3A_330] : memref<4x4096xi32, #tpu.memory_space<vmem>> -> memref<1x4096xi32, #tpu.memory_space<vmem>>
    %dma_wait3A_332 = tpu.memref_squeeze %dma_wait3A_331 : memref<1x4096xi32, #tpu.memory_space<vmem>> -> memref<4096xi32, #tpu.memory_space<vmem>>
    %dma_wait3A_333 = arith.constant 4096 : i32
    %dma_wait3A_334 = tpu.memref_slice %arg2[%dma_wait3A_322, %dma_wait3A_333] : memref<26x16384xi32, #tpu.memory_space<hbm>> -> memref<1x4096xi32, #tpu.memory_space<hbm>>
    %dma_wait3A_335 = tpu.memref_squeeze %dma_wait3A_334 : memref<1x4096xi32, #tpu.memory_space<hbm>> -> memref<4096xi32, #tpu.memory_space<hbm>>
    tpu.wait_dma2 semaphore(%arg10 : memref<!tpu.dma_semaphore, #tpu.memory_space<semaphore_mem>>) src(%dma_wait3A_335 : memref<4096xi32, #tpu.memory_space<hbm>>) dst(%dma_wait3A_332 : memref<4096xi32, #tpu.memory_space<vmem>>)
    %dma_wait3A_336 = arith.constant 1 : i32
    %dma_wait3A_337 = arith.constant 0 : i32
    %dma_wait3A_338 = tpu.memref_slice %arg7[%dma_wait3A_336, %dma_wait3A_337] : memref<2x4096xf32, #tpu.memory_space<vmem>> -> memref<1x4096xf32, #tpu.memory_space<vmem>>
    %dma_wait3A_339 = tpu.memref_squeeze %dma_wait3A_338 : memref<1x4096xf32, #tpu.memory_space<vmem>> -> memref<4096xf32, #tpu.memory_space<vmem>>
    %dma_wait3A_340 = arith.constant 4096 : i32
    %dma_wait3A_341 = tpu.memref_slice %arg4[%add3A_264, %dma_wait3A_340] : memref<832x16384xf32, #tpu.memory_space<hbm>> -> memref<1x4096xf32, #tpu.memory_space<hbm>>
    %dma_wait3A_342 = tpu.memref_squeeze %dma_wait3A_341 : memref<1x4096xf32, #tpu.memory_space<hbm>> -> memref<4096xf32, #tpu.memory_space<hbm>>
    %dma_wait3A_343 = arith.constant 4096 : i32
    %dma_wait3A_344 = tpu.memref_slice %arg4[%add3A_264, %dma_wait3A_343] : memref<832x16384xf32, #tpu.memory_space<hbm>> -> memref<1x4096xf32, #tpu.memory_space<hbm>>
    %dma_wait3A_345 = tpu.memref_squeeze %dma_wait3A_344 : memref<1x4096xf32, #tpu.memory_space<hbm>> -> memref<4096xf32, #tpu.memory_space<hbm>>
    %dma_wait3A_346 = arith.constant 0 : i32
    %dma_wait3A_347 = tpu.memref_slice %arg7[%dma_wait3A_336, %dma_wait3A_346] : memref<2x4096xf32, #tpu.memory_space<vmem>> -> memref<1x4096xf32, #tpu.memory_space<vmem>>
    %dma_wait3A_348 = tpu.memref_squeeze %dma_wait3A_347 : memref<1x4096xf32, #tpu.memory_space<vmem>> -> memref<4096xf32, #tpu.memory_space<vmem>>
    tpu.wait_dma2 semaphore(%arg14 : memref<!tpu.dma_semaphore, #tpu.memory_space<semaphore_mem>>) src(%dma_wait3A_348 : memref<4096xf32, #tpu.memory_space<vmem>>) dst(%dma_wait3A_345 : memref<4096xf32, #tpu.memory_space<hbm>>)
    %parallel_loop3A_349 = arith.constant 0 : i32
    %parallel_loop3A_350 = arith.constant 4096 : i32
    %parallel_loop3A_351 = arith.constant 16 : i32
    scf.for %parallel_loop3A_495 = %parallel_loop3A_349 to %parallel_loop3A_350 step %parallel_loop3A_351  : i32 {
      %parallel_loop3A_496 = arith.constant 1 : i32
      %parallel_loop3A_497 = arith.index_cast %parallel_loop3A_496 : i32 to index
      %parallel_loop3A_498 = arith.index_cast %parallel_loop3A_495 : i32 to index
      %parallel_loop3A_499 = tpu.vector_load %arg6[%parallel_loop3A_497, %parallel_loop3A_498] {strides = array<i32>} : memref<4x4096xi32, #tpu.memory_space<vmem>>, vector<16xi32>,
      %parallel_loop3A_500 = tpu.vector_load_idx %arg5[%parallel_loop3A_499] : memref<100000xf32, #tpu.memory_space<vmem>>[vector<16xi32>], vector<16xf32>,
      %parallel_loop3A_501 = arith.constant 1 : i32
      %parallel_loop3A_502 = arith.index_cast %parallel_loop3A_501 : i32 to index
      %parallel_loop3A_503 = arith.index_cast %parallel_loop3A_495 : i32 to index
      %parallel_loop3A_504 = tpu.vector_load %arg7[%parallel_loop3A_502, %parallel_loop3A_503] {strides = array<i32>} : memref<2x4096xf32, #tpu.memory_space<vmem>>, vector<16xf32>,
      tpu.vector_store %arg7[%parallel_loop3A_502, %parallel_loop3A_503], %parallel_loop3A_500 {strides = array<i32>} : memref<2x4096xf32, #tpu.memory_space<vmem>>, vector<16xf32>,
    } {sc.loop_unroll_factor = 8 : i64, sc.parallel_access}
    %dma_start3A_352 = arith.constant 1 : i32
    %dma_start3A_353 = arith.constant 0 : i32
    %dma_start3A_354 = tpu.memref_slice %arg7[%dma_start3A_352, %dma_start3A_353] : memref<2x4096xf32, #tpu.memory_space<vmem>> -> memref<1x4096xf32, #tpu.memory_space<vmem>>
    %dma_start3A_355 = tpu.memref_squeeze %dma_start3A_354 : memref<1x4096xf32, #tpu.memory_space<vmem>> -> memref<4096xf32, #tpu.memory_space<vmem>>
    %dma_start3A_356 = arith.constant 4096 : i32
    %dma_start3A_357 = tpu.memref_slice %arg4[%add3A_264, %dma_start3A_356] : memref<832x16384xf32, #tpu.memory_space<hbm>> -> memref<1x4096xf32, #tpu.memory_space<hbm>>
    %dma_start3A_358 = tpu.memref_squeeze %dma_start3A_357 : memref<1x4096xf32, #tpu.memory_space<hbm>> -> memref<4096xf32, #tpu.memory_space<hbm>>
    %dma_start3A_359 = arith.constant 4096 : i32
    %dma_start3A_360 = tpu.memref_slice %arg4[%add3A_264, %dma_start3A_359] : memref<832x16384xf32, #tpu.memory_space<hbm>> -> memref<1x4096xf32, #tpu.memory_space<hbm>>
    %dma_start3A_361 = tpu.memref_squeeze %dma_start3A_360 : memref<1x4096xf32, #tpu.memory_space<hbm>> -> memref<4096xf32, #tpu.memory_space<hbm>>
    %dma_start3A_362 = arith.constant 0 : i32
    %dma_start3A_363 = tpu.memref_slice %arg7[%dma_start3A_352, %dma_start3A_362] : memref<2x4096xf32, #tpu.memory_space<vmem>> -> memref<1x4096xf32, #tpu.memory_space<vmem>>
    %dma_start3A_364 = tpu.memref_squeeze %dma_start3A_363 : memref<1x4096xf32, #tpu.memory_space<vmem>> -> memref<4096xf32, #tpu.memory_space<vmem>>
    tpu.enqueue_dma source(%dma_start3A_364 : memref<4096xf32, #tpu.memory_space<vmem>>) target(%dma_start3A_361 : memref<4096xf32, #tpu.memory_space<hbm>>) target_semaphore(%arg14 : memref<!tpu.dma_semaphore, #tpu.memory_space<semaphore_mem>>)
    %dma_start3A_365 = arith.constant 25 : i32
    %dma_start3A_366 = arith.constant 3 : i32
    %dma_start3A_367 = arith.constant 0 : i32
    %dma_start3A_368 = tpu.memref_slice %arg6[%dma_start3A_366, %dma_start3A_367] : memref<4x4096xi32, #tpu.memory_space<vmem>> -> memref<1x4096xi32, #tpu.memory_space<vmem>>
    %dma_start3A_369 = tpu.memref_squeeze %dma_start3A_368 : memref<1x4096xi32, #tpu.memory_space<vmem>> -> memref<4096xi32, #tpu.memory_space<vmem>>
    %dma_start3A_370 = arith.constant 12288 : i32
    %dma_start3A_371 = tpu.memref_slice %arg2[%dma_start3A_365, %dma_start3A_370] : memref<26x16384xi32, #tpu.memory_space<hbm>> -> memref<1x4096xi32, #tpu.memory_space<hbm>>
    %dma_start3A_372 = tpu.memref_squeeze %dma_start3A_371 : memref<1x4096xi32, #tpu.memory_space<hbm>> -> memref<4096xi32, #tpu.memory_space<hbm>>
    %dma_start3A_373 = arith.constant 0 : i32
    %dma_start3A_374 = tpu.memref_slice %arg6[%dma_start3A_366, %dma_start3A_373] : memref<4x4096xi32, #tpu.memory_space<vmem>> -> memref<1x4096xi32, #tpu.memory_space<vmem>>
    %dma_start3A_375 = tpu.memref_squeeze %dma_start3A_374 : memref<1x4096xi32, #tpu.memory_space<vmem>> -> memref<4096xi32, #tpu.memory_space<vmem>>
    %dma_start3A_376 = arith.constant 12288 : i32
    %dma_start3A_377 = tpu.memref_slice %arg2[%dma_start3A_365, %dma_start3A_376] : memref<26x16384xi32, #tpu.memory_space<hbm>> -> memref<1x4096xi32, #tpu.memory_space<hbm>>
    %dma_start3A_378 = tpu.memref_squeeze %dma_start3A_377 : memref<1x4096xi32, #tpu.memory_space<hbm>> -> memref<4096xi32, #tpu.memory_space<hbm>>
    tpu.enqueue_dma source(%dma_start3A_378 : memref<4096xi32, #tpu.memory_space<hbm>>) target(%dma_start3A_375 : memref<4096xi32, #tpu.memory_space<vmem>>) target_semaphore(%arg12 : memref<!tpu.dma_semaphore, #tpu.memory_space<semaphore_mem>>)
    %dma_wait3A_379 = arith.constant 25 : i32
    %dma_wait3A_380 = arith.constant 2 : i32
    %dma_wait3A_381 = arith.constant 0 : i32
    %dma_wait3A_382 = tpu.memref_slice %arg6[%dma_wait3A_380, %dma_wait3A_381] : memref<4x4096xi32, #tpu.memory_space<vmem>> -> memref<1x4096xi32, #tpu.memory_space<vmem>>
    %dma_wait3A_383 = tpu.memref_squeeze %dma_wait3A_382 : memref<1x4096xi32, #tpu.memory_space<vmem>> -> memref<4096xi32, #tpu.memory_space<vmem>>
    %dma_wait3A_384 = arith.constant 8192 : i32
    %dma_wait3A_385 = tpu.memref_slice %arg2[%dma_wait3A_379, %dma_wait3A_384] : memref<26x16384xi32, #tpu.memory_space<hbm>> -> memref<1x4096xi32, #tpu.memory_space<hbm>>
    %dma_wait3A_386 = tpu.memref_squeeze %dma_wait3A_385 : memref<1x4096xi32, #tpu.memory_space<hbm>> -> memref<4096xi32, #tpu.memory_space<hbm>>
    %dma_wait3A_387 = arith.constant 0 : i32
    %dma_wait3A_388 = tpu.memref_slice %arg6[%dma_wait3A_380, %dma_wait3A_387] : memref<4x4096xi32, #tpu.memory_space<vmem>> -> memref<1x4096xi32, #tpu.memory_space<vmem>>
    %dma_wait3A_389 = tpu.memref_squeeze %dma_wait3A_388 : memref<1x4096xi32, #tpu.memory_space<vmem>> -> memref<4096xi32, #tpu.memory_space<vmem>>
    %dma_wait3A_390 = arith.constant 8192 : i32
    %dma_wait3A_391 = tpu.memref_slice %arg2[%dma_wait3A_379, %dma_wait3A_390] : memref<26x16384xi32, #tpu.memory_space<hbm>> -> memref<1x4096xi32, #tpu.memory_space<hbm>>
    %dma_wait3A_392 = tpu.memref_squeeze %dma_wait3A_391 : memref<1x4096xi32, #tpu.memory_space<hbm>> -> memref<4096xi32, #tpu.memory_space<hbm>>
    tpu.wait_dma2 semaphore(%arg11 : memref<!tpu.dma_semaphore, #tpu.memory_space<semaphore_mem>>) src(%dma_wait3A_392 : memref<4096xi32, #tpu.memory_space<hbm>>) dst(%dma_wait3A_389 : memref<4096xi32, #tpu.memory_space<vmem>>)
    %dma_wait3A_393 = arith.constant 0 : i32
    %dma_wait3A_394 = arith.constant 0 : i32
    %dma_wait3A_395 = tpu.memref_slice %arg7[%dma_wait3A_393, %dma_wait3A_394] : memref<2x4096xf32, #tpu.memory_space<vmem>> -> memref<1x4096xf32, #tpu.memory_space<vmem>>
    %dma_wait3A_396 = tpu.memref_squeeze %dma_wait3A_395 : memref<1x4096xf32, #tpu.memory_space<vmem>> -> memref<4096xf32, #tpu.memory_space<vmem>>
    %dma_wait3A_397 = arith.constant 8192 : i32
    %dma_wait3A_398 = tpu.memref_slice %arg4[%add3A_264, %dma_wait3A_397] : memref<832x16384xf32, #tpu.memory_space<hbm>> -> memref<1x4096xf32, #tpu.memory_space<hbm>>
    %dma_wait3A_399 = tpu.memref_squeeze %dma_wait3A_398 : memref<1x4096xf32, #tpu.memory_space<hbm>> -> memref<4096xf32, #tpu.memory_space<hbm>>
    %dma_wait3A_400 = arith.constant 8192 : i32
    %dma_wait3A_401 = tpu.memref_slice %arg4[%add3A_264, %dma_wait3A_400] : memref<832x16384xf32, #tpu.memory_space<hbm>> -> memref<1x4096xf32, #tpu.memory_space<hbm>>
    %dma_wait3A_402 = tpu.memref_squeeze %dma_wait3A_401 : memref<1x4096xf32, #tpu.memory_space<hbm>> -> memref<4096xf32, #tpu.memory_space<hbm>>
    %dma_wait3A_403 = arith.constant 0 : i32
    %dma_wait3A_404 = tpu.memref_slice %arg7[%dma_wait3A_393, %dma_wait3A_403] : memref<2x4096xf32, #tpu.memory_space<vmem>> -> memref<1x4096xf32, #tpu.memory_space<vmem>>
    %dma_wait3A_405 = tpu.memref_squeeze %dma_wait3A_404 : memref<1x4096xf32, #tpu.memory_space<vmem>> -> memref<4096xf32, #tpu.memory_space<vmem>>
    tpu.wait_dma2 semaphore(%arg13 : memref<!tpu.dma_semaphore, #tpu.memory_space<semaphore_mem>>) src(%dma_wait3A_405 : memref<4096xf32, #tpu.memory_space<vmem>>) dst(%dma_wait3A_402 : memref<4096xf32, #tpu.memory_space<hbm>>)
    %parallel_loop3A_406 = arith.constant 0 : i32
    %parallel_loop3A_407 = arith.constant 4096 : i32
    %parallel_loop3A_408 = arith.constant 16 : i32
    scf.for %parallel_loop3A_495 = %parallel_loop3A_406 to %parallel_loop3A_407 step %parallel_loop3A_408  : i32 {
      %parallel_loop3A_496 = arith.constant 2 : i32
      %parallel_loop3A_497 = arith.index_cast %parallel_loop3A_496 : i32 to index
      %parallel_loop3A_498 = arith.index_cast %parallel_loop3A_495 : i32 to index
      %parallel_loop3A_499 = tpu.vector_load %arg6[%parallel_loop3A_497, %parallel_loop3A_498] {strides = array<i32>} : memref<4x4096xi32, #tpu.memory_space<vmem>>, vector<16xi32>,
      %parallel_loop3A_500 = tpu.vector_load_idx %arg5[%parallel_loop3A_499] : memref<100000xf32, #tpu.memory_space<vmem>>[vector<16xi32>], vector<16xf32>,
      %parallel_loop3A_501 = arith.constant 0 : i32
      %parallel_loop3A_502 = arith.index_cast %parallel_loop3A_501 : i32 to index
      %parallel_loop3A_503 = arith.index_cast %parallel_loop3A_495 : i32 to index
      %parallel_loop3A_504 = tpu.vector_load %arg7[%parallel_loop3A_502, %parallel_loop3A_503] {strides = array<i32>} : memref<2x4096xf32, #tpu.memory_space<vmem>>, vector<16xf32>,
      tpu.vector_store %arg7[%parallel_loop3A_502, %parallel_loop3A_503], %parallel_loop3A_500 {strides = array<i32>} : memref<2x4096xf32, #tpu.memory_space<vmem>>, vector<16xf32>,
    } {sc.loop_unroll_factor = 8 : i64, sc.parallel_access}
    %dma_start3A_409 = arith.constant 0 : i32
    %dma_start3A_410 = arith.constant 0 : i32
    %dma_start3A_411 = tpu.memref_slice %arg7[%dma_start3A_409, %dma_start3A_410] : memref<2x4096xf32, #tpu.memory_space<vmem>> -> memref<1x4096xf32, #tpu.memory_space<vmem>>
    %dma_start3A_412 = tpu.memref_squeeze %dma_start3A_411 : memref<1x4096xf32, #tpu.memory_space<vmem>> -> memref<4096xf32, #tpu.memory_space<vmem>>
    %dma_start3A_413 = arith.constant 8192 : i32
    %dma_start3A_414 = tpu.memref_slice %arg4[%add3A_264, %dma_start3A_413] : memref<832x16384xf32, #tpu.memory_space<hbm>> -> memref<1x4096xf32, #tpu.memory_space<hbm>>
    %dma_start3A_415 = tpu.memref_squeeze %dma_start3A_414 : memref<1x4096xf32, #tpu.memory_space<hbm>> -> memref<4096xf32, #tpu.memory_space<hbm>>
    %dma_start3A_416 = arith.constant 8192 : i32
    %dma_start3A_417 = tpu.memref_slice %arg4[%add3A_264, %dma_start3A_416] : memref<832x16384xf32, #tpu.memory_space<hbm>> -> memref<1x4096xf32, #tpu.memory_space<hbm>>
    %dma_start3A_418 = tpu.memref_squeeze %dma_start3A_417 : memref<1x4096xf32, #tpu.memory_space<hbm>> -> memref<4096xf32, #tpu.memory_space<hbm>>
    %dma_start3A_419 = arith.constant 0 : i32
    %dma_start3A_420 = tpu.memref_slice %arg7[%dma_start3A_409, %dma_start3A_419] : memref<2x4096xf32, #tpu.memory_space<vmem>> -> memref<1x4096xf32, #tpu.memory_space<vmem>>
    %dma_start3A_421 = tpu.memref_squeeze %dma_start3A_420 : memref<1x4096xf32, #tpu.memory_space<vmem>> -> memref<4096xf32, #tpu.memory_space<vmem>>
    tpu.enqueue_dma source(%dma_start3A_421 : memref<4096xf32, #tpu.memory_space<vmem>>) target(%dma_start3A_418 : memref<4096xf32, #tpu.memory_space<hbm>>) target_semaphore(%arg13 : memref<!tpu.dma_semaphore, #tpu.memory_space<semaphore_mem>>)
    %dma_wait3A_422 = arith.constant 25 : i32
    %dma_wait3A_423 = arith.constant 3 : i32
    %dma_wait3A_424 = arith.constant 0 : i32
    %dma_wait3A_425 = tpu.memref_slice %arg6[%dma_wait3A_423, %dma_wait3A_424] : memref<4x4096xi32, #tpu.memory_space<vmem>> -> memref<1x4096xi32, #tpu.memory_space<vmem>>
    %dma_wait3A_426 = tpu.memref_squeeze %dma_wait3A_425 : memref<1x4096xi32, #tpu.memory_space<vmem>> -> memref<4096xi32, #tpu.memory_space<vmem>>
    %dma_wait3A_427 = arith.constant 12288 : i32
    %dma_wait3A_428 = tpu.memref_slice %arg2[%dma_wait3A_422, %dma_wait3A_427] : memref<26x16384xi32, #tpu.memory_space<hbm>> -> memref<1x4096xi32, #tpu.memory_space<hbm>>
    %dma_wait3A_429 = tpu.memref_squeeze %dma_wait3A_428 : memref<1x4096xi32, #tpu.memory_space<hbm>> -> memref<4096xi32, #tpu.memory_space<hbm>>
    %dma_wait3A_430 = arith.constant 0 : i32
    %dma_wait3A_431 = tpu.memref_slice %arg6[%dma_wait3A_423, %dma_wait3A_430] : memref<4x4096xi32, #tpu.memory_space<vmem>> -> memref<1x4096xi32, #tpu.memory_space<vmem>>
    %dma_wait3A_432 = tpu.memref_squeeze %dma_wait3A_431 : memref<1x4096xi32, #tpu.memory_space<vmem>> -> memref<4096xi32, #tpu.memory_space<vmem>>
    %dma_wait3A_433 = arith.constant 12288 : i32
    %dma_wait3A_434 = tpu.memref_slice %arg2[%dma_wait3A_422, %dma_wait3A_433] : memref<26x16384xi32, #tpu.memory_space<hbm>> -> memref<1x4096xi32, #tpu.memory_space<hbm>>
    %dma_wait3A_435 = tpu.memref_squeeze %dma_wait3A_434 : memref<1x4096xi32, #tpu.memory_space<hbm>> -> memref<4096xi32, #tpu.memory_space<hbm>>
    tpu.wait_dma2 semaphore(%arg12 : memref<!tpu.dma_semaphore, #tpu.memory_space<semaphore_mem>>) src(%dma_wait3A_435 : memref<4096xi32, #tpu.memory_space<hbm>>) dst(%dma_wait3A_432 : memref<4096xi32, #tpu.memory_space<vmem>>)
    %dma_wait3A_436 = arith.constant 1 : i32
    %dma_wait3A_437 = arith.constant 0 : i32
    %dma_wait3A_438 = tpu.memref_slice %arg7[%dma_wait3A_436, %dma_wait3A_437] : memref<2x4096xf32, #tpu.memory_space<vmem>> -> memref<1x4096xf32, #tpu.memory_space<vmem>>
    %dma_wait3A_439 = tpu.memref_squeeze %dma_wait3A_438 : memref<1x4096xf32, #tpu.memory_space<vmem>> -> memref<4096xf32, #tpu.memory_space<vmem>>
    %dma_wait3A_440 = arith.constant 12288 : i32
    %dma_wait3A_441 = tpu.memref_slice %arg4[%add3A_264, %dma_wait3A_440] : memref<832x16384xf32, #tpu.memory_space<hbm>> -> memref<1x4096xf32, #tpu.memory_space<hbm>>
    %dma_wait3A_442 = tpu.memref_squeeze %dma_wait3A_441 : memref<1x4096xf32, #tpu.memory_space<hbm>> -> memref<4096xf32, #tpu.memory_space<hbm>>
    %dma_wait3A_443 = arith.constant 12288 : i32
    %dma_wait3A_444 = tpu.memref_slice %arg4[%add3A_264, %dma_wait3A_443] : memref<832x16384xf32, #tpu.memory_space<hbm>> -> memref<1x4096xf32, #tpu.memory_space<hbm>>
    %dma_wait3A_445 = tpu.memref_squeeze %dma_wait3A_444 : memref<1x4096xf32, #tpu.memory_space<hbm>> -> memref<4096xf32, #tpu.memory_space<hbm>>
    %dma_wait3A_446 = arith.constant 0 : i32
    %dma_wait3A_447 = tpu.memref_slice %arg7[%dma_wait3A_436, %dma_wait3A_446] : memref<2x4096xf32, #tpu.memory_space<vmem>> -> memref<1x4096xf32, #tpu.memory_space<vmem>>
    %dma_wait3A_448 = tpu.memref_squeeze %dma_wait3A_447 : memref<1x4096xf32, #tpu.memory_space<vmem>> -> memref<4096xf32, #tpu.memory_space<vmem>>
    tpu.wait_dma2 semaphore(%arg14 : memref<!tpu.dma_semaphore, #tpu.memory_space<semaphore_mem>>) src(%dma_wait3A_448 : memref<4096xf32, #tpu.memory_space<vmem>>) dst(%dma_wait3A_445 : memref<4096xf32, #tpu.memory_space<hbm>>)
    %parallel_loop3A_449 = arith.constant 0 : i32
    %parallel_loop3A_450 = arith.constant 4096 : i32
    %parallel_loop3A_451 = arith.constant 16 : i32
    scf.for %parallel_loop3A_495 = %parallel_loop3A_449 to %parallel_loop3A_450 step %parallel_loop3A_451  : i32 {
      %parallel_loop3A_496 = arith.constant 3 : i32
      %parallel_loop3A_497 = arith.index_cast %parallel_loop3A_496 : i32 to index
      %parallel_loop3A_498 = arith.index_cast %parallel_loop3A_495 : i32 to index
      %parallel_loop3A_499 = tpu.vector_load %arg6[%parallel_loop3A_497, %parallel_loop3A_498] {strides = array<i32>} : memref<4x4096xi32, #tpu.memory_space<vmem>>, vector<16xi32>,
      %parallel_loop3A_500 = tpu.vector_load_idx %arg5[%parallel_loop3A_499] : memref<100000xf32, #tpu.memory_space<vmem>>[vector<16xi32>], vector<16xf32>,
      %parallel_loop3A_501 = arith.constant 1 : i32
      %parallel_loop3A_502 = arith.index_cast %parallel_loop3A_501 : i32 to index
      %parallel_loop3A_503 = arith.index_cast %parallel_loop3A_495 : i32 to index
      %parallel_loop3A_504 = tpu.vector_load %arg7[%parallel_loop3A_502, %parallel_loop3A_503] {strides = array<i32>} : memref<2x4096xf32, #tpu.memory_space<vmem>>, vector<16xf32>,
      tpu.vector_store %arg7[%parallel_loop3A_502, %parallel_loop3A_503], %parallel_loop3A_500 {strides = array<i32>} : memref<2x4096xf32, #tpu.memory_space<vmem>>, vector<16xf32>,
    } {sc.loop_unroll_factor = 8 : i64, sc.parallel_access}
    %dma_start3A_452 = arith.constant 1 : i32
    %dma_start3A_453 = arith.constant 0 : i32
    %dma_start3A_454 = tpu.memref_slice %arg7[%dma_start3A_452, %dma_start3A_453] : memref<2x4096xf32, #tpu.memory_space<vmem>> -> memref<1x4096xf32, #tpu.memory_space<vmem>>
    %dma_start3A_455 = tpu.memref_squeeze %dma_start3A_454 : memref<1x4096xf32, #tpu.memory_space<vmem>> -> memref<4096xf32, #tpu.memory_space<vmem>>
    %dma_start3A_456 = arith.constant 12288 : i32
    %dma_start3A_457 = tpu.memref_slice %arg4[%add3A_264, %dma_start3A_456] : memref<832x16384xf32, #tpu.memory_space<hbm>> -> memref<1x4096xf32, #tpu.memory_space<hbm>>
    %dma_start3A_458 = tpu.memref_squeeze %dma_start3A_457 : memref<1x4096xf32, #tpu.memory_space<hbm>> -> memref<4096xf32, #tpu.memory_space<hbm>>
    %dma_start3A_459 = arith.constant 12288 : i32
    %dma_start3A_460 = tpu.memref_slice %arg4[%add3A_264, %dma_start3A_459] : memref<832x16384xf32, #tpu.memory_space<hbm>> -> memref<1x4096xf32, #tpu.memory_space<hbm>>
    %dma_start3A_461 = tpu.memref_squeeze %dma_start3A_460 : memref<1x4096xf32, #tpu.memory_space<hbm>> -> memref<4096xf32, #tpu.memory_space<hbm>>
    %dma_start3A_462 = arith.constant 0 : i32
    %dma_start3A_463 = tpu.memref_slice %arg7[%dma_start3A_452, %dma_start3A_462] : memref<2x4096xf32, #tpu.memory_space<vmem>> -> memref<1x4096xf32, #tpu.memory_space<vmem>>
    %dma_start3A_464 = tpu.memref_squeeze %dma_start3A_463 : memref<1x4096xf32, #tpu.memory_space<vmem>> -> memref<4096xf32, #tpu.memory_space<vmem>>
    tpu.enqueue_dma source(%dma_start3A_464 : memref<4096xf32, #tpu.memory_space<vmem>>) target(%dma_start3A_461 : memref<4096xf32, #tpu.memory_space<hbm>>) target_semaphore(%arg14 : memref<!tpu.dma_semaphore, #tpu.memory_space<semaphore_mem>>)
    %add3A_465 = arith.constant 800 : i32
    %add3A_466 = arith.addi %add3A_465, %add3A : i32
    %dma_wait3A_467 = arith.constant 0 : i32
    %dma_wait3A_468 = arith.constant 0 : i32
    %dma_wait3A_469 = tpu.memref_slice %arg7[%dma_wait3A_467, %dma_wait3A_468] : memref<2x4096xf32, #tpu.memory_space<vmem>> -> memref<1x4096xf32, #tpu.memory_space<vmem>>
    %dma_wait3A_470 = tpu.memref_squeeze %dma_wait3A_469 : memref<1x4096xf32, #tpu.memory_space<vmem>> -> memref<4096xf32, #tpu.memory_space<vmem>>
    %dma_wait3A_471 = arith.constant 8192 : i32
    %dma_wait3A_472 = tpu.memref_slice %arg4[%add3A_466, %dma_wait3A_471] : memref<832x16384xf32, #tpu.memory_space<hbm>> -> memref<1x4096xf32, #tpu.memory_space<hbm>>
    %dma_wait3A_473 = tpu.memref_squeeze %dma_wait3A_472 : memref<1x4096xf32, #tpu.memory_space<hbm>> -> memref<4096xf32, #tpu.memory_space<hbm>>
    %dma_wait3A_474 = arith.constant 8192 : i32
    %dma_wait3A_475 = tpu.memref_slice %arg4[%add3A_466, %dma_wait3A_474] : memref<832x16384xf32, #tpu.memory_space<hbm>> -> memref<1x4096xf32, #tpu.memory_space<hbm>>
    %dma_wait3A_476 = tpu.memref_squeeze %dma_wait3A_475 : memref<1x4096xf32, #tpu.memory_space<hbm>> -> memref<4096xf32, #tpu.memory_space<hbm>>
    %dma_wait3A_477 = arith.constant 0 : i32
    %dma_wait3A_478 = tpu.memref_slice %arg7[%dma_wait3A_467, %dma_wait3A_477] : memref<2x4096xf32, #tpu.memory_space<vmem>> -> memref<1x4096xf32, #tpu.memory_space<vmem>>
    %dma_wait3A_479 = tpu.memref_squeeze %dma_wait3A_478 : memref<1x4096xf32, #tpu.memory_space<vmem>> -> memref<4096xf32, #tpu.memory_space<vmem>>
    tpu.wait_dma2 semaphore(%arg13 : memref<!tpu.dma_semaphore, #tpu.memory_space<semaphore_mem>>) src(%dma_wait3A_479 : memref<4096xf32, #tpu.memory_space<vmem>>) dst(%dma_wait3A_476 : memref<4096xf32, #tpu.memory_space<hbm>>)
    %add3A_480 = arith.constant 800 : i32
    %add3A_481 = arith.addi %add3A_480, %add3A : i32
    %dma_wait3A_482 = arith.constant 1 : i32
    %dma_wait3A_483 = arith.constant 0 : i32
    %dma_wait3A_484 = tpu.memref_slice %arg7[%dma_wait3A_482, %dma_wait3A_483] : memref<2x4096xf32, #tpu.memory_space<vmem>> -> memref<1x4096xf32, #tpu.memory_space<vmem>>
    %dma_wait3A_485 = tpu.memref_squeeze %dma_wait3A_484 : memref<1x4096xf32, #tpu.memory_space<vmem>> -> memref<4096xf32, #tpu.memory_space<vmem>>
    %dma_wait3A_486 = arith.constant 12288 : i32
    %dma_wait3A_487 = tpu.memref_slice %arg4[%add3A_481, %dma_wait3A_486] : memref<832x16384xf32, #tpu.memory_space<hbm>> -> memref<1x4096xf32, #tpu.memory_space<hbm>>
    %dma_wait3A_488 = tpu.memref_squeeze %dma_wait3A_487 : memref<1x4096xf32, #tpu.memory_space<hbm>> -> memref<4096xf32, #tpu.memory_space<hbm>>
    %dma_wait3A_489 = arith.constant 12288 : i32
    %dma_wait3A_490 = tpu.memref_slice %arg4[%add3A_481, %dma_wait3A_489] : memref<832x16384xf32, #tpu.memory_space<hbm>> -> memref<1x4096xf32, #tpu.memory_space<hbm>>
    %dma_wait3A_491 = tpu.memref_squeeze %dma_wait3A_490 : memref<1x4096xf32, #tpu.memory_space<hbm>> -> memref<4096xf32, #tpu.memory_space<hbm>>
    %dma_wait3A_492 = arith.constant 0 : i32
    %dma_wait3A_493 = tpu.memref_slice %arg7[%dma_wait3A_482, %dma_wait3A_492] : memref<2x4096xf32, #tpu.memory_space<vmem>> -> memref<1x4096xf32, #tpu.memory_space<vmem>>
    %dma_wait3A_494 = tpu.memref_squeeze %dma_wait3A_493 : memref<1x4096xf32, #tpu.memory_space<vmem>> -> memref<4096xf32, #tpu.memory_space<vmem>>
    tpu.wait_dma2 semaphore(%arg14 : memref<!tpu.dma_semaphore, #tpu.memory_space<semaphore_mem>>) src(%dma_wait3A_494 : memref<4096xf32, #tpu.memory_space<vmem>>) dst(%dma_wait3A_491 : memref<4096xf32, #tpu.memory_space<hbm>>)
    return
  }
}

</mosaic_0001>

<sc_bundles>
// kernel: kernel.3.cloned.1.call-start
scs
__scs_entry_jumppad:
0x0: {  	(pc) =	sbr.rel $0x88, $3  }
0x1: {  	(tag) =	ssettag $0x0;
	lr =	simm.s32 $0x1  }
0x2: {  	[smem:$0x3F9F] =	sst lr;
	_ =	strace $0xD0000000  }
0x3: {  	_ = 	snop  }
0x4: {  	_ = 	snop  }
0x5: {  	_ = 	snop  }
0x6: {  	_ = 	snop  }
0x7: {  	_ = 	snop  }
__scs_overlays_trampoline_lowered:
0x8: {  	[smem:$0x3FAE] =	sst s0  }
0x9: {  	[smem:$0x3FAF] =	sst s1  }
0xa: {  	[smem:$0x3FB0] =	sst s2  }
0xb: {  	[smem:$0x3FB1] =	sst s3  }
0xc: {  	[smem:$0x3FB2] =	sst s4  }
0xd: {  	[smem:$0x3FB3] =	sst s5  }
0xe: {  	[smem:$0x3FB4] =	sst s6  }
0xf: {  	[smem:$0x3FB5] =	sst s7  }
0x10: {  	[smem:$0x3FB6] =	sst s8  }
0x11: {  	[smem:$0x3FB7] =	sst s9;
	s0 =	simm.s32 @!p0 $0x0  }
0x12: {  	s1 =	sld [smem:$0x3F9D];
	s0 =	simm.s32 @p0 $0x1  }
0x13: {  	[smem:$0x3FB8] =	sst s0;
	s0 =	simm.s32 @!p1 $0x0  }
0x14: {  	s2 =	sld [smem:$0x3F9C];
	s0 =	simm.s32 @p1 $0x1  }
0x15: {  	[smem:$0x3FB9] =	sst s0;
	s0 =	simm.s32 @!p2 $0x0  }
0x16: {  	s3 =	sld [smem:$0x3FDB];
	s0 =	simm.s32 @p2 $0x1  }
0x17: {  	s4 =	simm.s32 $0x1BF5;
	[smem:$0x3FBB] =	sst s0  }
0x18: {  	s0 =	sld [smem:$0x3F9E];
	_ =	swait.ge [sflag:s4], $0x0  }
0x19: {  	s7 =	sld [smem:$0x3F9F]  }
0x1a: {  	s8 =	sadd.s32 $0xFFFFE003, lr  }
0x1b: {  	s9 =	sadd.s32 $0xFFFFFEF7, lr;
	s5 =	simm.s32 $0xFFFFFFFF;
	p2 =	slt.u32 s8, $0xFFFFF086  }
0x1c: {  	p1 =	slt.u32 s9, $0xF7A;
	s5 =	simm.s32 @!p2 $0x0  }
0x1d: {  	s5 =	simm.s32 @p1 $0x1;
	p0 =	seq.s32 s7, s2  }
0x1e: {  	s7 =	smul.u32 @!p0 $0xF7A, s2;
	p2 =	seq.s32 @!p0 s5, $0x0  }
0x1f: {  	s9 =	smul.u32 $0xF7A, s1;
	s8 =	simm.s32 @!p0 $0x1BF5;
	p2 =	por !p2, p0  }
0x20: {  	[sflag:s8] =	ssyncset.s32 @!p0 $0xFFFFF086;
	s6 =	sadd.s32 @!p0 s3, s7;
	s7 =	simm.s32 @!p0 $0x108  }
0x21: {  	s3 =	sadd.s32 s3, s9;
	s6 =	sadd.s32 @!p0 $0x88, s6;
	s7 =	simm.s32 @p2 $0x1082  }
0x22: {  	[simem:s7], [sflag:s8] =	dma.local @!p0 [hbm:s6], $0xF7A  }
0x23: {  	s9 =	sor.u32 $0xD0000000, s2;
	s6 =	simm.s32 $0x108;
	_ =	swait.ge @!p0 [sflag:s8], $0x0  }
0x24: {  	s3 =	sadd.s32 $0x88, s3;
	s6 =	simm.s32 @!p1 $0x1082;
	[sflag:s4] =	ssyncset.s32 $0xFFFFF086  }
0x25: {  	[simem:s6], [sflag:s4] =	dma.local [hbm:s3], $0xF7A  }
0x26: {  	[smem:$0x3F9F] =	sst s1;
	(tag) =	ssettag s2;
	_ =	strace s9  }
0x27: {  	s1 =	sld [smem:$0x3FAF]  }
0x28: {  	s2 =	sld [smem:$0x3FB0]  }
0x29: {  	s4 =	sld [smem:$0x3FB2]  }
0x2a: {  	p0 =	seq.s32 s5, $0x0;
	s5 =	sld [smem:$0x3FB3]  }
0x2b: {  	s6 =	sld [smem:$0x3FB4]  }
0x2c: {  	s7 =	sld [smem:$0x3FB5]  }
0x2d: {  	s3 =	simm.s32 $0x108;
	s8 =	sld [smem:$0x3FB6]  }
0x2e: {  	s3 =	simm.s32 @!p0 $0x1082;
	s9 =	sld [smem:$0x3FB7]  }
0x2f: {  	lr =	sadd.s32 s0, s3;
	s0 =	sld [smem:$0x3FAE]  }
0x30: {  	s3 =	sld [smem:$0x3FB1]  }
0x31: {  	[smem:$0x3FBA] =	sst s10  }
0x32: {  	s10 =	sld [smem:$0x3FB8];
	_ =	sdelay $0x3  }
0x33: {  	p0 =	seq.s32 s10, $0x1;
	s10 =	sld [smem:$0x3FBA];
	_ =	sdelay $0x3  }
0x34: {  	[smem:$0x3FBA] =	sst s10  }
0x35: {  	s10 =	sld [smem:$0x3FB9];
	_ =	sdelay $0x3  }
0x36: {  	p1 =	seq.s32 s10, $0x1;
	s10 =	sld [smem:$0x3FBA];
	_ =	sdelay $0x3  }
0x37: {  	[smem:$0x3FBA] =	sst s10  }
0x38: {  	s10 =	sld [smem:$0x3FBB]  }
0x39: {  	_ = 	snop;
	(pc) =	sbr.ind lr, $3  }
0x3a: {  	_ = 	snop  }
0x3b: {  	_ = 	snop  }
0x3c: {  	p2 =	seq.s32 s10, $0x1;
	s10 =	sld [smem:$0x3FBA]  }
0x3d: {  	_ =	shalt  }
0x3e: {  	_ =	shalt  }
0x3f: {  	_ =	shalt  }
0x40: {  	_ =	shalt  }
0x41: {  	_ =	shalt  }
0x42: {  	_ =	shalt  }
0x43: {  	_ =	shalt  }
0x44: {  	_ =	shalt  }
0x45: {  	_ =	shalt  }
0x46: {  	_ =	shalt  }
0x47: {  	_ =	shalt  }
0x48: {  	_ =	shalt  }
0x49: {  	_ =	shalt  }
0x4a: {  	_ =	shalt  }
0x4b: {  	_ =	shalt  }
0x4c: {  	_ =	shalt  }
0x4d: {  	_ =	shalt  }
0x4e: {  	_ =	shalt  }
0x4f: {  	_ =	shalt  }
0x50: {  	_ =	shalt  }
0x51: {  	_ =	shalt  }
0x52: {  	_ =	shalt  }
0x53: {  	_ =	shalt  }
0x54: {  	_ =	shalt  }
0x55: {  	_ =	shalt  }
0x56: {  	_ =	shalt  }
0x57: {  	_ =	shalt  }
0x58: {  	_ =	shalt  }
0x59: {  	_ =	shalt  }
0x5a: {  	_ =	shalt  }
0x5b: {  	_ =	shalt  }
0x5c: {  	_ =	shalt  }
0x5d: {  	_ =	shalt  }
0x5e: {  	_ =	shalt  }
0x5f: {  	_ =	shalt  }
0x60: {  	_ =	shalt  }
0x61: {  	_ =	shalt  }
0x62: {  	_ =	shalt  }
0x63: {  	_ =	shalt  }
0x64: {  	_ =	shalt  }
0x65: {  	_ =	shalt  }
0x66: {  	_ =	shalt  }
0x67: {  	_ =	shalt  }
0x68: {  	_ =	shalt  }
0x69: {  	_ =	shalt  }
0x6a: {  	_ =	shalt  }
0x6b: {  	_ =	shalt  }
0x6c: {  	_ =	shalt  }
0x6d: {  	_ =	shalt  }
0x6e: {  	_ =	shalt  }
0x6f: {  	_ =	shalt  }
0x70: {  	_ =	shalt  }
0x71: {  	_ =	shalt  }
0x72: {  	_ =	shalt  }
0x73: {  	_ =	shalt  }
0x74: {  	_ =	shalt  }
0x75: {  	_ =	shalt  }
0x76: {  	_ =	shalt  }
0x77: {  	_ =	shalt  }
0x78: {  	_ =	shalt  }
0x79: {  	_ =	shalt  }
0x7a: {  	_ =	shalt  }
0x7b: {  	_ =	shalt  }
0x7c: {  	_ =	shalt  }
0x7d: {  	_ =	shalt  }
0x7e: {  	_ =	shalt  }
0x7f: {  	_ =	shalt  }
0x80: {  	_ =	shalt  }
0x81: {  	_ =	shalt  }
0x82: {  	_ =	shalt  }
0x83: {  	_ =	shalt  }
0x84: {  	_ =	shalt  }
0x85: {  	_ =	shalt  }
0x86: {  	_ =	shalt  }
0x87: {  	_ =	shalt  }
.Lfunc_end0:
.L_simem_size_0:
called_computation_lowered:
.L_overlay_start_0:
0x88: {  	s2 =	sld [smem:$0x3FD9]  }
0x89: {  	s3 =	sld [smem:$0x3FFE];
	_ =	sdelay $0x1  }
0x8a: {  	s1 =	srdreg.scid  }
0x8b: {  	s0 =	sand.u32 $0x1, s1  }
0x8c: {  	s18 =	sshll.u32 s0, $0xA;
	s2 =	sadd.s32 s3, s2  }
0x8d: {  	s2 =	sadd.s32 s2, s18  }
0x8e: {  	[smem:$0x3FC6] =	sst s2  }
0x8f: {  	_ = 	snop  }
0x90: {  	s2 =	sld [smem:$0x3FC9]  }
0x91: {  	s19 =	sld [smem:$0x3FC8]  }
0x92: {  	s4 =	sld [smem:$0x3FD0];
	(tm) =	ssettm $0x1  }
0x93: {  	s5 =	sld [smem:$0x3FFB];
	_ =	sdelay $0x3  }
0x94: {  	_ =	strace s5  }
0x95: {  	s5 =	sld [smem:$0x3FFC];
	_ =	sdelay $0x3  }
0x96: {  	_ =	strace s5  }
0x97: {  	s5 =	sld [smem:$0x3FFD];
	_ =	sdelay $0x3  }
0x98: {  	_ =	strace s5  }
0x99: {  	_ =	strace $0x8FFFFFFF  }
0x9a: {  	s20 =	sld [smem:$0x3FDB];
	_ =	sdelay $0x1  }
0x9b: {  	s6 =	simm.s32 $_scs_section_size  }
0x9c: {  	s7 =	simm.s32 $_size__tile_overlayer_lowered;
	s8 =	simm.s32 $_tile_overlayer_lowered  }
0x9d: {  	s23 =	simm.s32 $0x1BFF;
	s22 =	sshll.u32 s8, $0x1;
	s5 =	sadd.s32 s6, s20  }
0x9e: {  	s9 =	simm.s32 $0x0;
	s21 =	sshll.u32 s7, $0x1;
	s7 =	sadd.s32 s22, s5  }
0x9f: {  	[timem:s9], [sflag:s23] =	dma.local [hbm:s7], s21  }
0xa0: {  	_ =	swait.ge [sflag:s23], s21  }
0xa1: {  	s6 =	ssub.s32 $0x0, s21;
	[sflag:s23] =	ssyncset.done $0x0  }
0xa2: {  	[sflag:s23] =	ssyncadd.s32 s6;
	_ =	sdelay $0x1  }
0xa3: {  	s24 =	simm.s32 $0x1B8B  }
0xa4: {  	_ =	swait.ge [sflag:s24], $0x1  }
0xa5: {  	[sflag:s24] =	ssyncset.done $0x0  }
0xa6: {  	s25 =	simm.s32 $0x1B8E;
	[sflag:s24] =	ssyncadd.s32 $0xFFFFFFFF  }
0xa7: {  	s26 =	simm.s32 $execute0_lowered;
	[smem:$0x3FD2] =	sst s25  }
0xa8: {  	s6 =	sshll.u32 s26, $0x1;
	_ =	strace $0x80000046;
	[dreg:$0x1] =	wrdreg $0xFFFFFFFF  }
0xa9: {  	s28 =	simm.s32 $_size_execute0_lowered;
	s5 =	sadd.s32 s5, s6;
	[dreg:$0x0] =	wrdreg $0x0  }
0xaa: {  	s6 =	sshll.u32 s28, $0x1;
	[dreg:$0x2] =	wrdreg s5  }
0xab: {  	[dreg:$0x3] =	wrdreg s6  }
0xac: {  	[dreg:$0x4] =	wrdreg $0xC0  }
0xad: {  	_ =	task [dreg:s9], $0x5FFFF  }
0xae: {  	[dreg:$0x1] =	wrdreg $0xFFFFFFFF  }
0xaf: {  	[dreg:$0x0] =	wrdreg $0x60  }
0xb0: {  	[dreg:$0x2] =	wrdreg s2  }
0xb1: {  	[dreg:$0x3] =	wrdreg s19  }
0xb2: {  	[dreg:$0x4] =	wrdreg s4  }
0xb3: {  	[dreg:$0x5] =	wrdreg $0x9  }
0xb4: {  	_ =	task.clear_ibuf [dreg:s9], $0x6FFFF;
	_ =	strace $0x90000046  }
0xb5: {  	s29 =	simm.s32 $0x9;
	_ =	strace $0x80000048  }
0xb6: {  	_ =	swait.ge [sflag:s29], $0x1  }
0xb7: {  	[sflag:s29] =	ssyncadd.s32 $0xFFFFFFFF  }
0xb8: {  	_ =	strace $0x90000048  }
0xb9: {  	_ =	sfence  }
0xba: {  	s30 =	sld [smem:$0x0];
	_ =	sdelay $0x2  }
0xbb: {  	s31 =	sshll.u32 s1, $0xD;
	s1 =	sshrl.u32 s1, $0x2  }
0xbc: {  	s3 =	sand.u32 $0x4000, s31;
	s1 =	sadd.s32 s1, s30  }
0xbd: {  	s0 =	sor.u32 s3, s0;
	s1 =	sshll.u32 s1, $0x11  }
0xbe: {  	s0 =	sor.u32 s1, s0  }
0xbf: {  	s0 =	sadd.s32 $0x8F2B, s0  }
0xc0: {  	[sflag:s0] =	ssyncadd.remote.s32 $0x1  }
0xc1: {  	_ =	sfence.sel $0xFFFF  }
0xc2: {  	[dreg:$0x0] =	wrdreg $0xFFFFFFFF;
	(pc) =	sbr.abs _section_cstart, $3  }
0xc3: {  	[dreg:$0x1] =	wrdreg $0xFFFFFFFF  }
0xc4: {  	_ =	task.clear_ibuf [dreg:s9], $0x2FFFF;
	_ =	strace $0x9FFFFFFF  }
0xc5: {  	(tm) =	ssettm $0x7FFFFFFF  }
tec
execute0_lowered:
.L_overlay_start_1:
0x0: {  	(tag) =	ssettag $0x1  }
0x1: {  	s1 =	rddreg [dreg:$0x0]  }
0x2: {  	s7 =	rddreg [dreg:$0x1]  }
0x3: {  	s11 =	rddreg [dreg:$0x2];
	s5 =	simm.s32 $0x0;
	s0 =	srdreg.scid  }
0x4: {  	s13 =	stileid.u32;
	s20 =	simm.s32 $0x4;
	[smem:$0x7FF] =	sst s5  }
0x5: {  	s0 =	sand.u32 $0x1, s0;
	s2 =	sshrl.u32 s13, $0x2;
	s3 =	sshll.u32 s13, $0x8  }
0x6: {  	s8 =	sadd.s32 $0x1000, s1;
	s10 =	sadd.s32 $0x2000, s1;
	s22 =	sadd.s32 $0x1000, s11  }
0x7: {  	s23 =	sadd.s32 $0x2000, s11;
	s24 =	sshll.u32 s13, $0xF;
	s14 =	sadd.s32 $0x3000, s1  }
0x8: {  	s16 =	sadd.s32 $0x10, s1;
	s26 =	sadd.s32 $0x3000, s11;
	s18 =	sadd.s32 $0x1010, s1  }
0x9: {  	s28 =	sadd.s32 $0xE010, s1;
	s29 =	sadd.s32 $0xF010, s1;
	s4 =	smul.u32 $0xC3800, s2  }
0xa: {  	s6 =	sshll.u32 s0, $0x7;
	_ =	strace $0x80000047;
	[dreg:$0x6] =	wrdreg s22  }
0xb: {  	s3 =	sand.u32 $0x300, s3;
	s0 =	ssub.s32 $0x2, s0;
	[dreg:$0x7] =	wrdreg s23  }
0xc: {  	s2 =	sshll.u32 s2, $0x11;
	s25 =	sand.u32 $0x60000, s24;
	[dreg:$0x8] =	wrdreg s26  }
0xd: {  	[dreg:$0xc] =	wrdreg s18;
	s3 =	sor.u32 s6, s3;
	s21 =	sshrl.u32 s0, $0x1  }
0xe: {  	s17 =	sor.u32 s4, s3;
	s0 =	ssub.s32 s0, s21;
	s2 =	sor.u32 s2, s3  }
0xf: {  	s6 =	sor.u32 s25, s3;
	s3 =	sor.u32 s24, s3;
	s25 =	simm.s32 $0x6  }
0x10: {  	s4 =	sshrl.u32 s17, $0x3;
	s2 =	sshrl.u32 s2, $0x3;
	[dreg:$0x4] =	wrdreg s17  }
0x11: {  	s30 =	sadd.s32 $0x4C5E000, s17;
	[dreg:$0x9] =	wrdreg s6;
	s6 =	sshrl.u32 s6, $0x3  }
0x12: {  	s31 =	sshrl.u32 s3, $0x3;
	s0 =	smax.u32 s0, $0x1;
	s3 =	simm.s32 $0x7  }
0x13: {  	s4 =	sadd.s32 s7, s4;
	s9 =	sadd.s32 s11, s2;
	s12 =	sadd.s32 s2, s22  }
0x14: {  	s15 =	sadd.s32 s2, s23;
	s19 =	sadd.s32 s2, s26;
	s2 =	sshrl.u32 s30, $0x3  }
0x15: {  	s6 =	sadd.s32 s6, s11;
	[dreg:$0xb] =	wrdreg s0;
	s0 =	simm.s32 $0x1  }
0x16: {  	[dreg:$0x5] =	wrdreg s4;
	s2 =	sadd.s32 s7, s2;
	s21 =	sadd.s32 $0x190000, s6  }
0x17: {  	s22 =	sadd.s32 $0x191000, s6;
	s23 =	sadd.s32 $0x192000, s6;
	s4 =	simm.s32 $0x2  }
0x18: {  	s7 =	simm.s32 $0x3;
	[dreg:$0xa] =	wrdreg s2;
	s2 =	sor.u32 $0x193000, s31  }
0x19: {  	s24 =	sadd.s32 s11, s2;
	s2 =	simm.s32 $0x5;
	s11 =	simm.s32 $0x0  }
.LBB2_1:
0x1a: {  	[dreg:$0xd] =	wrdreg s11  }
0x1b: {  	s6 =	rddreg [dreg:$0x5]  }
0x1c: {  	s31 =	simm.s32 $0x80;
	s13 =	simm.s32 $0x400;
	s11 =	simm.s32 $0x80  }
0x1d: {  	[tilespmem:s5], [sflag:$0x1] =	stream.strided.gather [hbm4b:s6+s31], $0x18700, s13, s31, $0x38;
	[tilespmem:$0x1E700] =	vst v63  }
0x1e: {  	s17 =	sadd.s32 $0x0, s1;
	s6 =	simm.s32 $0x18700;
	s13 =	simm.s32 $0x18900  }
.LBB2_2:
0x1f: {  	[tilespmem:s6], [sflag:$0x2] =	stream.linear.gather [hbm4b:s17+s5], $0x80, $0x38;
	[tilespmem:$0x1E700] =	vst v63  }
0x20: {  	s17 =	smov.u32 s11;
	s6 =	smov.u32 s13;
	p0 =	sne.s32 s11, $0xF80  }
.Ltmp0:
0x21: {  	s11 =	sadd.s32 $0x80, s11;
	(pc) =	sbr.rel @p0 .LBB2_2-.Ltmp0, $2  }
0x22: {  	_ =	sdelay $0x2  }
0x23: {  	s13 =	sadd.s32 $0x200, s13;
	s17 =	sadd.s32 s17, s1  }
0x24: {  	[tilespmem:s6], [sflag:$0x2] =	stream.linear.gather [hbm4b:s17+s5], $0x80, $0x38;
	[tilespmem:$0x1E700] =	vst v63  }
0x25: {  	s6 =	simm.s32 $0x18780  }
0x26: {  	s11 =	simm.s32 $0x80;
	s17 =	sadd.s32 $0x0, s8;
	s13 =	simm.s32 $0x18980  }
.LBB2_4:
0x27: {  	[tilespmem:s6], [sflag:$0x3] =	stream.linear.gather [hbm4b:s17+s5], $0x80, $0x38;
	[tilespmem:$0x1E700] =	vst v63  }
0x28: {  	s17 =	smov.u32 s11;
	s6 =	smov.u32 s13;
	p0 =	sne.s32 s11, $0xF80  }
.Ltmp1:
0x29: {  	s11 =	sadd.s32 $0x80, s11;
	(pc) =	sbr.rel @p0 .LBB2_4-.Ltmp1, $2  }
0x2a: {  	_ =	sdelay $0x2  }
0x2b: {  	s13 =	sadd.s32 $0x200, s13;
	s17 =	sadd.s32 s17, s8  }
0x2c: {  	[tilespmem:s6], [sflag:$0x3] =	stream.linear.gather [hbm4b:s17+s5], $0x80, $0x38;
	[tilespmem:$0x1E700] =	vst v63  }
0x2d: {  	_ =	swait.ge [sflag:s0], $0x18700  }
0x2e: {  	[sflag:s0] =	ssyncset.done $0x0  }
0x2f: {  	[sflag:s0] =	ssyncadd.s32 $0xFFFE7900  }
0x30: {  	_ =	swait.ge [sflag:s4], $0x1000  }
0x31: {  	[sflag:s4] =	ssyncset.done $0x0  }
0x32: {  	s31 =	simm.s32 $0x18740;
	[sflag:s4] =	ssyncadd.s32 $0xFFFFF000  }
0x33: {  	v0 =	vld [tilespmem:s31+$0x30]  }
0x34: {  	v1 =	vld [tilespmem:s31+$0xFFFFFFD0]  }
0x35: {  	v2 =	vld [tilespmem:s31+$0xFFFFFFE0]  }
0x36: {  	v3 =	vld [tilespmem:s31+$0xFFFFFFF0]  }
0x37: {  	v4 =	vld [tilespmem:s31+$0x0]  }
0x38: {  	v6 =	vld [tilespmem:s31+$0x10]  }
0x39: {  	v7 =	vld [tilespmem:s31+$0x20]  }
0x3a: {  	v8 =	vld [tilespmem:s31+$0xFFFFFFC0]  }
0x3b: {  	v9 =	vld.idx.msk [tilespmem:v0+s5+$0x0], $0xffff  }
0x3c: {  	v10 =	vld.idx.msk [tilespmem:v1+s5+$0x0], $0xffff  }
0x3d: {  	v5 =	vld.idx.msk [tilespmem:v2+s5+$0x0], $0xffff  }
0x3e: {  	v3 =	vld.idx.msk [tilespmem:v3+s5+$0x0], $0xffff  }
0x3f: {  	v0 =	vld.idx.msk [tilespmem:v4+s5+$0x0], $0xffff  }
0x40: {  	s6 =	simm.s32 $0x1C740;
	v1 =	vld.idx.msk [tilespmem:v6+s5+$0x0], $0xffff  }
0x41: {  	v2 =	vld.idx.msk [tilespmem:v7+s5+$0x0], $0xffff;
	[tilespmem:s6+$0x30] =	vst v9  }
0x42: {  	s11 =	simm.s32 $0x0;
	s13 =	simm.s32 $0x18940;
	v4 =	vld.idx.msk [tilespmem:v8+s5+$0x0], $0xffff;
	[tilespmem:s6+$0xFFFFFFD0] =	vst v10  }
.LBB2_6:
0x43: {  	v6 =	vld [tilespmem:s13+$0x30];
	s11 =	sadd.s32 $0x80, s11;
	[tilespmem:s6+$0xFFFFFFE0] =	vst v5  }
0x44: {  	v5 =	vld [tilespmem:s13+$0xFFFFFFD0];
	p0 =	slt.u32 s11, $0xF80;
	[tilespmem:s6+$0xFFFFFFF0] =	vst v3  }
0x45: {  	v3 =	vld [tilespmem:s13+$0xFFFFFFE0];
	[tilespmem:s6+$0x0] =	vst v0  }
0x46: {  	v0 =	vld [tilespmem:s13+$0xFFFFFFF0];
	[tilespmem:s6+$0x10] =	vst v1  }
0x47: {  	v1 =	vld [tilespmem:s13+$0x0];
	[tilespmem:s6+$0x20] =	vst v2  }
0x48: {  	v2 =	vld [tilespmem:s13+$0x10];
	[tilespmem:s6+$0xFFFFFFC0] =	vst v4  }
0x49: {  	v4 =	vld [tilespmem:s13+$0x20]  }
0x4a: {  	v7 =	vld [tilespmem:s13+$0xFFFFFFC0]  }
0x4b: {  	v6 =	vld.idx.msk [tilespmem:v6+s5+$0x0], $0xffff  }
0x4c: {  	v8 =	vld.idx.msk [tilespmem:v5+s5+$0x0], $0xffff  }
0x4d: {  	v5 =	vld.idx.msk [tilespmem:v3+s5+$0x0], $0xffff  }
.Ltmp2:
0x4e: {  	v3 =	vld.idx.msk [tilespmem:v0+s5+$0x0], $0xffff;
	(pc) =	sbr.rel @p0 .LBB2_6-.Ltmp2, $4  }
0x4f: {  	v0 =	vld.idx.msk [tilespmem:v1+s5+$0x0], $0xffff  }
0x50: {  	s6 =	sadd.s32 $0x100, s6;
	v1 =	vld.idx.msk [tilespmem:v2+s5+$0x0], $0xffff  }
0x51: {  	v2 =	vld.idx.msk [tilespmem:v4+s5+$0x0], $0xffff;
	[tilespmem:s6+$0x30] =	vst v6  }
0x52: {  	s13 =	sadd.s32 $0x200, s13;
	v4 =	vld.idx.msk [tilespmem:v7+s5+$0x0], $0xffff;
	[tilespmem:s6+$0xFFFFFFD0] =	vst v8  }
0x53: {  	[tilespmem:s6+$0xFFFFFFE0] =	vst v5  }
0x54: {  	[tilespmem:s6+$0xFFFFFFF0] =	vst v3  }
0x55: {  	[tilespmem:s6+$0x0] =	vst v0  }
0x56: {  	[tilespmem:s6+$0x10] =	vst v1  }
0x57: {  	s11 =	simm.s32 $0x1C700;
	[tilespmem:s6+$0x20] =	vst v2  }
0x58: {  	s17 =	sadd.s32 $0x0, s9;
	s13 =	simm.s32 $0x1C800;
	[tilespmem:s6+$0xFFFFFFC0] =	vst v4;
	s6 =	simm.s32 $0x80  }
.LBB2_8:
0x59: {  	[hbm4b:s17+s5] =	stream.linear.scatter [tilespmem:s11], [sflag:$0x6], $0x80, $0x38;
	[tilespmem:$0x1E700] =	vst v63  }
0x5a: {  	s17 =	smov.u32 s6;
	s11 =	smov.u32 s13;
	p0 =	sne.s32 s6, $0xF80  }
.Ltmp3:
0x5b: {  	s6 =	sadd.s32 $0x80, s6;
	(pc) =	sbr.rel @p0 .LBB2_8-.Ltmp3, $2  }
0x5c: {  	_ =	sdelay $0x2  }
0x5d: {  	s13 =	sadd.s32 $0x100, s13;
	s17 =	sadd.s32 s17, s9  }
0x5e: {  	[hbm4b:s17+s5] =	stream.linear.scatter [tilespmem:s11], [sflag:$0x6], $0x80, $0x38;
	[tilespmem:$0x1E700] =	vst v63  }
0x5f: {  	s6 =	simm.s32 $0x18800  }
0x60: {  	s11 =	simm.s32 $0x80;
	s17 =	sadd.s32 $0x0, s10;
	s13 =	simm.s32 $0x18A00  }
.LBB2_10:
0x61: {  	[tilespmem:s6], [sflag:$0x4] =	stream.linear.gather [hbm4b:s17+s5], $0x80, $0x38;
	[tilespmem:$0x1E700] =	vst v63  }
0x62: {  	s17 =	smov.u32 s11;
	s6 =	smov.u32 s13;
	p0 =	sne.s32 s11, $0xF80  }
.Ltmp4:
0x63: {  	s11 =	sadd.s32 $0x80, s11;
	(pc) =	sbr.rel @p0 .LBB2_10-.Ltmp4, $2  }
0x64: {  	_ =	sdelay $0x2  }
0x65: {  	s13 =	sadd.s32 $0x200, s13;
	s17 =	sadd.s32 s17, s10  }
0x66: {  	[tilespmem:s6], [sflag:$0x4] =	stream.linear.gather [hbm4b:s17+s5], $0x80, $0x38;
	[tilespmem:$0x1E700] =	vst v63  }
0x67: {  	_ =	swait.ge [sflag:s7], $0x1000  }
0x68: {  	[sflag:s7] =	ssyncset.done $0x0  }
0x69: {  	s31 =	simm.s32 $0x187F0;
	[sflag:s7] =	ssyncadd.s32 $0xFFFFF000  }
0x6a: {  	v0 =	vld [tilespmem:s31+$0x0]  }
0x6b: {  	v1 =	vld [tilespmem:s31+$0xFFFFFFA0]  }
0x6c: {  	v2 =	vld [tilespmem:s31+$0xFFFFFFB0]  }
0x6d: {  	v3 =	vld [tilespmem:s31+$0xFFFFFFC0]  }
0x6e: {  	v4 =	vld [tilespmem:s31+$0xFFFFFFD0]  }
0x6f: {  	v6 =	vld [tilespmem:s31+$0xFFFFFFE0]  }
0x70: {  	v7 =	vld [tilespmem:s31+$0xFFFFFFF0]  }
0x71: {  	v8 =	vld [tilespmem:s31+$0xFFFFFF90]  }
0x72: {  	v9 =	vld.idx.msk [tilespmem:v0+s5+$0x0], $0xffff  }
0x73: {  	v10 =	vld.idx.msk [tilespmem:v1+s5+$0x0], $0xffff  }
0x74: {  	v5 =	vld.idx.msk [tilespmem:v2+s5+$0x0], $0xffff  }
0x75: {  	v3 =	vld.idx.msk [tilespmem:v3+s5+$0x0], $0xffff  }
0x76: {  	v0 =	vld.idx.msk [tilespmem:v4+s5+$0x0], $0xffff  }
0x77: {  	s6 =	simm.s32 $0x1C7F0;
	v1 =	vld.idx.msk [tilespmem:v6+s5+$0x0], $0xffff  }
0x78: {  	v2 =	vld.idx.msk [tilespmem:v7+s5+$0x0], $0xffff;
	[tilespmem:s6+$0x0] =	vst v9  }
0x79: {  	s11 =	simm.s32 $0x0;
	s13 =	simm.s32 $0x189F0;
	v4 =	vld.idx.msk [tilespmem:v8+s5+$0x0], $0xffff;
	[tilespmem:s6+$0xFFFFFFA0] =	vst v10  }
.LBB2_12:
0x7a: {  	v6 =	vld [tilespmem:s13+$0x0];
	s11 =	sadd.s32 $0x80, s11;
	[tilespmem:s6+$0xFFFFFFB0] =	vst v5  }
0x7b: {  	v5 =	vld [tilespmem:s13+$0xFFFFFFA0];
	p0 =	slt.u32 s11, $0xF80;
	[tilespmem:s6+$0xFFFFFFC0] =	vst v3  }
0x7c: {  	v3 =	vld [tilespmem:s13+$0xFFFFFFB0];
	[tilespmem:s6+$0xFFFFFFD0] =	vst v0  }
0x7d: {  	v0 =	vld [tilespmem:s13+$0xFFFFFFC0];
	[tilespmem:s6+$0xFFFFFFE0] =	vst v1  }
0x7e: {  	v1 =	vld [tilespmem:s13+$0xFFFFFFD0];
	[tilespmem:s6+$0xFFFFFFF0] =	vst v2  }
0x7f: {  	v2 =	vld [tilespmem:s13+$0xFFFFFFE0];
	[tilespmem:s6+$0xFFFFFF90] =	vst v4  }
0x80: {  	v4 =	vld [tilespmem:s13+$0xFFFFFFF0]  }
0x81: {  	v7 =	vld [tilespmem:s13+$0xFFFFFF90]  }
0x82: {  	v6 =	vld.idx.msk [tilespmem:v6+s5+$0x0], $0xffff  }
0x83: {  	v8 =	vld.idx.msk [tilespmem:v5+s5+$0x0], $0xffff  }
0x84: {  	v5 =	vld.idx.msk [tilespmem:v3+s5+$0x0], $0xffff  }
.Ltmp5:
0x85: {  	v3 =	vld.idx.msk [tilespmem:v0+s5+$0x0], $0xffff;
	(pc) =	sbr.rel @p0 .LBB2_12-.Ltmp5, $4  }
0x86: {  	v0 =	vld.idx.msk [tilespmem:v1+s5+$0x0], $0xffff  }
0x87: {  	s6 =	sadd.s32 $0x100, s6;
	v1 =	vld.idx.msk [tilespmem:v2+s5+$0x0], $0xffff  }
0x88: {  	v2 =	vld.idx.msk [tilespmem:v4+s5+$0x0], $0xffff;
	[tilespmem:s6+$0x0] =	vst v6  }
0x89: {  	s13 =	sadd.s32 $0x200, s13;
	v4 =	vld.idx.msk [tilespmem:v7+s5+$0x0], $0xffff;
	[tilespmem:s6+$0xFFFFFFA0] =	vst v8  }
0x8a: {  	[tilespmem:s6+$0xFFFFFFB0] =	vst v5  }
0x8b: {  	[tilespmem:s6+$0xFFFFFFC0] =	vst v3  }
0x8c: {  	[tilespmem:s6+$0xFFFFFFD0] =	vst v0  }
0x8d: {  	[tilespmem:s6+$0xFFFFFFE0] =	vst v1  }
0x8e: {  	s11 =	simm.s32 $0x1C780;
	[tilespmem:s6+$0xFFFFFFF0] =	vst v2  }
0x8f: {  	s17 =	sadd.s32 $0x0, s12;
	s13 =	simm.s32 $0x1C880;
	[tilespmem:s6+$0xFFFFFF90] =	vst v4;
	s6 =	simm.s32 $0x80  }
.LBB2_14:
0x90: {  	[hbm4b:s17+s5] =	stream.linear.scatter [tilespmem:s11], [sflag:$0x7], $0x80, $0x38;
	[tilespmem:$0x1E700] =	vst v63  }
0x91: {  	s17 =	smov.u32 s6;
	s11 =	smov.u32 s13;
	p0 =	sne.s32 s6, $0xF80  }
.Ltmp6:
0x92: {  	s6 =	sadd.s32 $0x80, s6;
	(pc) =	sbr.rel @p0 .LBB2_14-.Ltmp6, $2  }
0x93: {  	_ =	sdelay $0x2  }
0x94: {  	s13 =	sadd.s32 $0x100, s13;
	s17 =	sadd.s32 s17, s12  }
0x95: {  	[hbm4b:s17+s5] =	stream.linear.scatter [tilespmem:s11], [sflag:$0x7], $0x80, $0x38;
	[tilespmem:$0x1E700] =	vst v63  }
0x96: {  	s6 =	simm.s32 $0x18880  }
0x97: {  	s11 =	simm.s32 $0x80;
	s17 =	sadd.s32 $0x0, s14;
	s13 =	simm.s32 $0x18A80  }
.LBB2_16:
0x98: {  	[tilespmem:s6], [sflag:$0x5] =	stream.linear.gather [hbm4b:s17+s5], $0x80, $0x38;
	[tilespmem:$0x1E700] =	vst v63  }
0x99: {  	s17 =	smov.u32 s11;
	s6 =	smov.u32 s13;
	p0 =	sne.s32 s11, $0xF80  }
.Ltmp7:
0x9a: {  	s11 =	sadd.s32 $0x80, s11;
	(pc) =	sbr.rel @p0 .LBB2_16-.Ltmp7, $2  }
0x9b: {  	_ =	sdelay $0x2  }
0x9c: {  	s13 =	sadd.s32 $0x200, s13;
	s17 =	sadd.s32 s17, s14  }
0x9d: {  	[tilespmem:s6], [sflag:$0x5] =	stream.linear.gather [hbm4b:s17+s5], $0x80, $0x38;
	[tilespmem:$0x1E700] =	vst v63  }
0x9e: {  	_ =	swait.ge [sflag:s20], $0x1000  }
0x9f: {  	[sflag:s20] =	ssyncset.done $0x0  }
0xa0: {  	[sflag:s20] =	ssyncadd.s32 $0xFFFFF000  }
0xa1: {  	_ =	swait.ge [sflag:s25], $0x1000  }
0xa2: {  	[sflag:s25] =	ssyncset.done $0x0  }
0xa3: {  	s11 =	simm.s32 $0x18870;
	[sflag:s25] =	ssyncadd.s32 $0xFFFFF000  }
0xa4: {  	v0 =	vld [tilespmem:s11+$0x0]  }
0xa5: {  	v1 =	vld [tilespmem:s11+$0xFFFFFFA0]  }
0xa6: {  	v2 =	vld [tilespmem:s11+$0xFFFFFFB0]  }
0xa7: {  	v3 =	vld [tilespmem:s11+$0xFFFFFFC0]  }
0xa8: {  	v4 =	vld [tilespmem:s11+$0xFFFFFFD0]  }
0xa9: {  	v6 =	vld [tilespmem:s11+$0xFFFFFFE0]  }
0xaa: {  	v7 =	vld [tilespmem:s11+$0xFFFFFFF0]  }
0xab: {  	v8 =	vld [tilespmem:s11+$0xFFFFFF90]  }
0xac: {  	v9 =	vld.idx.msk [tilespmem:v0+s5+$0x0], $0xffff  }
0xad: {  	v10 =	vld.idx.msk [tilespmem:v1+s5+$0x0], $0xffff  }
0xae: {  	v5 =	vld.idx.msk [tilespmem:v2+s5+$0x0], $0xffff  }
0xaf: {  	v3 =	vld.idx.msk [tilespmem:v3+s5+$0x0], $0xffff  }
0xb0: {  	v2 =	vld.idx.msk [tilespmem:v4+s5+$0x0], $0xffff  }
0xb1: {  	s6 =	simm.s32 $0x1C740;
	v0 =	vld.idx.msk [tilespmem:v6+s5+$0x0], $0xffff  }
0xb2: {  	v1 =	vld.idx.msk [tilespmem:v7+s5+$0x0], $0xffff;
	[tilespmem:s6+$0x30] =	vst v9  }
0xb3: {  	s13 =	simm.s32 $0x18A70;
	s11 =	simm.s32 $0x0;
	v4 =	vld.idx.msk [tilespmem:v8+s5+$0x0], $0xffff;
	[tilespmem:s6+$0xFFFFFFD0] =	vst v10  }
.LBB2_18:
0xb4: {  	v6 =	vld [tilespmem:s13+$0x0];
	s11 =	sadd.s32 $0x80, s11;
	[tilespmem:s6+$0xFFFFFFE0] =	vst v5  }
0xb5: {  	v5 =	vld [tilespmem:s13+$0xFFFFFFA0];
	p0 =	slt.u32 s11, $0xF80;
	[tilespmem:s6+$0xFFFFFFF0] =	vst v3  }
0xb6: {  	v3 =	vld [tilespmem:s13+$0xFFFFFFB0];
	[tilespmem:s6+$0x0] =	vst v2  }
0xb7: {  	v2 =	vld [tilespmem:s13+$0xFFFFFFC0];
	[tilespmem:s6+$0x10] =	vst v0  }
0xb8: {  	v0 =	vld [tilespmem:s13+$0xFFFFFFD0];
	[tilespmem:s6+$0x20] =	vst v1  }
0xb9: {  	v1 =	vld [tilespmem:s13+$0xFFFFFFE0];
	[tilespmem:s6+$0xFFFFFFC0] =	vst v4  }
0xba: {  	v4 =	vld [tilespmem:s13+$0xFFFFFFF0]  }
0xbb: {  	v7 =	vld [tilespmem:s13+$0xFFFFFF90]  }
0xbc: {  	v6 =	vld.idx.msk [tilespmem:v6+s5+$0x0], $0xffff  }
0xbd: {  	v8 =	vld.idx.msk [tilespmem:v5+s5+$0x0], $0xffff  }
0xbe: {  	v5 =	vld.idx.msk [tilespmem:v3+s5+$0x0], $0xffff  }
.Ltmp8:
0xbf: {  	v3 =	vld.idx.msk [tilespmem:v2+s5+$0x0], $0xffff;
	(pc) =	sbr.rel @p0 .LBB2_18-.Ltmp8, $4  }
0xc0: {  	v2 =	vld.idx.msk [tilespmem:v0+s5+$0x0], $0xffff  }
0xc1: {  	s6 =	sadd.s32 $0x100, s6;
	v0 =	vld.idx.msk [tilespmem:v1+s5+$0x0], $0xffff  }
0xc2: {  	v1 =	vld.idx.msk [tilespmem:v4+s5+$0x0], $0xffff;
	[tilespmem:s6+$0x30] =	vst v6  }
0xc3: {  	s13 =	sadd.s32 $0x200, s13;
	v4 =	vld.idx.msk [tilespmem:v7+s5+$0x0], $0xffff;
	[tilespmem:s6+$0xFFFFFFD0] =	vst v8  }
0xc4: {  	[tilespmem:s6+$0xFFFFFFE0] =	vst v5  }
0xc5: {  	[tilespmem:s6+$0xFFFFFFF0] =	vst v3  }
0xc6: {  	[tilespmem:s6+$0x0] =	vst v2  }
0xc7: {  	[tilespmem:s6+$0x10] =	vst v0  }
0xc8: {  	s11 =	simm.s32 $0x80;
	[tilespmem:s6+$0x20] =	vst v1  }
0xc9: {  	s17 =	sadd.s32 $0x0, s15;
	s13 =	simm.s32 $0x1C800;
	[tilespmem:s6+$0xFFFFFFC0] =	vst v4;
	s6 =	simm.s32 $0x1C700  }
.LBB2_20:
0xca: {  	[hbm4b:s17+s5] =	stream.linear.scatter [tilespmem:s6], [sflag:$0x6], $0x80, $0x38;
	[tilespmem:$0x1E700] =	vst v63  }
0xcb: {  	s17 =	smov.u32 s11;
	s6 =	smov.u32 s13;
	p0 =	sne.s32 s11, $0xF80  }
.Ltmp9:
0xcc: {  	s11 =	sadd.s32 $0x80, s11;
	(pc) =	sbr.rel @p0 .LBB2_20-.Ltmp9, $2  }
0xcd: {  	_ =	sdelay $0x2  }
0xce: {  	s13 =	sadd.s32 $0x100, s13;
	s17 =	sadd.s32 s17, s15  }
0xcf: {  	[hbm4b:s17+s5] =	stream.linear.scatter [tilespmem:s6], [sflag:$0x6], $0x80, $0x38;
	[tilespmem:$0x1E700] =	vst v63  }
0xd0: {  	s6 =	simm.s32 $0x18700  }
0xd1: {  	s11 =	simm.s32 $0x80;
	s17 =	sadd.s32 $0x0, s16;
	s13 =	simm.s32 $0x18900  }
.LBB2_22:
0xd2: {  	[tilespmem:s6], [sflag:$0x2] =	stream.linear.gather [hbm4b:s17+s5], $0x80, $0x38;
	[tilespmem:$0x1E700] =	vst v63  }
0xd3: {  	s17 =	smov.u32 s11;
	s6 =	smov.u32 s13;
	p0 =	sne.s32 s11, $0xF80  }
.Ltmp10:
0xd4: {  	s11 =	sadd.s32 $0x80, s11;
	(pc) =	sbr.rel @p0 .LBB2_22-.Ltmp10, $2  }
0xd5: {  	_ =	sdelay $0x2  }
0xd6: {  	s13 =	sadd.s32 $0x200, s13;
	s17 =	sadd.s32 s17, s16  }
0xd7: {  	[tilespmem:s6], [sflag:$0x2] =	stream.linear.gather [hbm4b:s17+s5], $0x80, $0x38;
	[tilespmem:$0x1E700] =	vst v63  }
0xd8: {  	_ =	swait.ge [sflag:s2], $0x1000  }
0xd9: {  	[sflag:s2] =	ssyncset.done $0x0  }
0xda: {  	[sflag:s2] =	ssyncadd.s32 $0xFFFFF000  }
0xdb: {  	_ =	swait.ge [sflag:s3], $0x1000  }
0xdc: {  	[sflag:s3] =	ssyncset.done $0x0  }
0xdd: {  	s11 =	simm.s32 $0x188F0;
	[sflag:s3] =	ssyncadd.s32 $0xFFFFF000  }
0xde: {  	v0 =	vld [tilespmem:s11+$0x0]  }
0xdf: {  	v1 =	vld [tilespmem:s11+$0xFFFFFFA0]  }
0xe0: {  	v2 =	vld [tilespmem:s11+$0xFFFFFFB0]  }
0xe1: {  	v3 =	vld [tilespmem:s11+$0xFFFFFFC0]  }
0xe2: {  	v4 =	vld [tilespmem:s11+$0xFFFFFFD0]  }
0xe3: {  	v6 =	vld [tilespmem:s11+$0xFFFFFFE0]  }
0xe4: {  	v7 =	vld [tilespmem:s11+$0xFFFFFFF0]  }
0xe5: {  	v8 =	vld [tilespmem:s11+$0xFFFFFF90]  }
0xe6: {  	v9 =	vld.idx.msk [tilespmem:v0+s5+$0x0], $0xffff  }
0xe7: {  	v10 =	vld.idx.msk [tilespmem:v1+s5+$0x0], $0xffff  }
0xe8: {  	v5 =	vld.idx.msk [tilespmem:v2+s5+$0x0], $0xffff  }
0xe9: {  	v3 =	vld.idx.msk [tilespmem:v3+s5+$0x0], $0xffff  }
0xea: {  	v2 =	vld.idx.msk [tilespmem:v4+s5+$0x0], $0xffff  }
0xeb: {  	s6 =	simm.s32 $0x1C7F0;
	v0 =	vld.idx.msk [tilespmem:v6+s5+$0x0], $0xffff  }
0xec: {  	v1 =	vld.idx.msk [tilespmem:v7+s5+$0x0], $0xffff;
	[tilespmem:s6+$0x0] =	vst v9  }
0xed: {  	s13 =	simm.s32 $0x18AF0;
	s11 =	simm.s32 $0x0;
	v4 =	vld.idx.msk [tilespmem:v8+s5+$0x0], $0xffff;
	[tilespmem:s6+$0xFFFFFFA0] =	vst v10  }
.LBB2_24:
0xee: {  	v6 =	vld [tilespmem:s13+$0x0];
	s11 =	sadd.s32 $0x80, s11;
	[tilespmem:s6+$0xFFFFFFB0] =	vst v5  }
0xef: {  	v5 =	vld [tilespmem:s13+$0xFFFFFFA0];
	p0 =	slt.u32 s11, $0xF80;
	[tilespmem:s6+$0xFFFFFFC0] =	vst v3  }
0xf0: {  	v3 =	vld [tilespmem:s13+$0xFFFFFFB0];
	[tilespmem:s6+$0xFFFFFFD0] =	vst v2  }
0xf1: {  	v2 =	vld [tilespmem:s13+$0xFFFFFFC0];
	[tilespmem:s6+$0xFFFFFFE0] =	vst v0  }
0xf2: {  	v0 =	vld [tilespmem:s13+$0xFFFFFFD0];
	[tilespmem:s6+$0xFFFFFFF0] =	vst v1  }
0xf3: {  	v1 =	vld [tilespmem:s13+$0xFFFFFFE0];
	[tilespmem:s6+$0xFFFFFF90] =	vst v4  }
0xf4: {  	v4 =	vld [tilespmem:s13+$0xFFFFFFF0]  }
0xf5: {  	v7 =	vld [tilespmem:s13+$0xFFFFFF90]  }
0xf6: {  	v6 =	vld.idx.msk [tilespmem:v6+s5+$0x0], $0xffff  }
0xf7: {  	v8 =	vld.idx.msk [tilespmem:v5+s5+$0x0], $0xffff  }
0xf8: {  	v5 =	vld.idx.msk [tilespmem:v3+s5+$0x0], $0xffff  }
.Ltmp11:
0xf9: {  	v3 =	vld.idx.msk [tilespmem:v2+s5+$0x0], $0xffff;
	(pc) =	sbr.rel @p0 .LBB2_24-.Ltmp11, $4  }
0xfa: {  	v2 =	vld.idx.msk [tilespmem:v0+s5+$0x0], $0xffff  }
0xfb: {  	s6 =	sadd.s32 $0x100, s6;
	v0 =	vld.idx.msk [tilespmem:v1+s5+$0x0], $0xffff  }
0xfc: {  	v1 =	vld.idx.msk [tilespmem:v4+s5+$0x0], $0xffff;
	[tilespmem:s6+$0x0] =	vst v6  }
0xfd: {  	s13 =	sadd.s32 $0x200, s13;
	v4 =	vld.idx.msk [tilespmem:v7+s5+$0x0], $0xffff;
	[tilespmem:s6+$0xFFFFFFA0] =	vst v8  }
0xfe: {  	[tilespmem:s6+$0xFFFFFFB0] =	vst v5  }
0xff: {  	[tilespmem:s6+$0xFFFFFFC0] =	vst v3  }
0x100: {  	[tilespmem:s6+$0xFFFFFFD0] =	vst v2  }
0x101: {  	[tilespmem:s6+$0xFFFFFFE0] =	vst v0  }
0x102: {  	s11 =	simm.s32 $0x80;
	[tilespmem:s6+$0xFFFFFFF0] =	vst v1  }
0x103: {  	s17 =	sadd.s32 $0x0, s19;
	s13 =	simm.s32 $0x1C880;
	[tilespmem:s6+$0xFFFFFF90] =	vst v4;
	s6 =	simm.s32 $0x1C780  }
.LBB2_26:
0x104: {  	[hbm4b:s17+s5] =	stream.linear.scatter [tilespmem:s6], [sflag:$0x7], $0x80, $0x38;
	[tilespmem:$0x1E700] =	vst v63  }
0x105: {  	s17 =	smov.u32 s11;
	s6 =	smov.u32 s13;
	p0 =	sne.s32 s11, $0xF80  }
.Ltmp12:
0x106: {  	s11 =	sadd.s32 $0x80, s11;
	(pc) =	sbr.rel @p0 .LBB2_26-.Ltmp12, $2  }
0x107: {  	_ =	sdelay $0x2  }
0x108: {  	s13 =	sadd.s32 $0x100, s13;
	s17 =	sadd.s32 s17, s19  }
0x109: {  	[hbm4b:s17+s5] =	stream.linear.scatter [tilespmem:s6], [sflag:$0x7], $0x80, $0x38;
	[tilespmem:$0x1E700] =	vst v63  }
0x10a: {  	s6 =	simm.s32 $0x0;
	s11 =	simm.s32 $0x18780  }
.LBB2_28:
0x10b: {  	p0 =	seq.s32 s6, $0xF80  }
.Ltmp13:
0x10c: {  	_ = 	snop;
	(pc) =	sbr.rel @!p0 .LBB2_28-.Ltmp13, $4  }
0x10d: {  	_ = 	snop  }
0x10e: {  	s13 =	sadd.s32 s6, s18  }
0x10f: {  	[tilespmem:s11], [sflag:$0x3] =	stream.linear.gather [hbm4b:s13+s5], $0x80, $0x38;
	[tilespmem:$0x1E700] =	vst v63  }
0x110: {  	s6 =	sadd.s32 $0x80, s6;
	s11 =	sadd.s32 $0x200, s11  }
0x111: {  	s30 =	simm.s32 $0x1  }
.LBB2_31:
0x112: {  	s6 =	smul.u32 $0x30E000, s30  }
0x113: {  	s11 =	rddreg [dreg:$0x4]  }
0x114: {  	s6 =	sadd.s32 s11, s6  }
0x115: {  	s18 =	rddreg [dreg:$0x1];
	s6 =	sshrl.u32 s6, $0x3  }
0x116: {  	s26 =	simm.s32 $0x80;
	s13 =	simm.s32 $0x400;
	s6 =	sadd.s32 s18, s6  }
0x117: {  	[tilespmem:s5], [sflag:$0x1] =	stream.strided.gather [hbm4b:s6+s26], $0x18700, s13, s26, $0x38;
	[tilespmem:$0x1E700] =	vst v63  }
0x118: {  	_ =	swait.ge [sflag:s0], $0x18700  }
0x119: {  	[sflag:s0] =	ssyncset.done $0x0  }
0x11a: {  	[sflag:s0] =	ssyncadd.s32 $0xFFFE7900  }
0x11b: {  	_ =	swait.ge [sflag:s4], $0x1000  }
0x11c: {  	[sflag:s4] =	ssyncset.done $0x0  }
0x11d: {  	[sflag:s4] =	ssyncadd.s32 $0xFFFFF000  }
0x11e: {  	s17 =	rddreg [dreg:$0x9];
	_ =	swait.ge [sflag:s25], $0x1000  }
0x11f: {  	s18 =	rddreg [dreg:$0x2];
	[sflag:s25] =	ssyncset.done $0x0  }
0x120: {  	s26 =	simm.s32 $0x18740;
	[sflag:s25] =	ssyncadd.s32 $0xFFFFF000  }
0x121: {  	v0 =	vld [tilespmem:s26+$0x30]  }
0x122: {  	v1 =	vld [tilespmem:s26+$0xFFFFFFD0]  }
0x123: {  	v2 =	vld [tilespmem:s26+$0xFFFFFFE0]  }
0x124: {  	v3 =	vld [tilespmem:s26+$0xFFFFFFF0]  }
0x125: {  	v4 =	vld [tilespmem:s26+$0x0]  }
0x126: {  	v6 =	vld [tilespmem:s26+$0x10]  }
0x127: {  	v7 =	vld [tilespmem:s26+$0x20]  }
0x128: {  	v8 =	vld [tilespmem:s26+$0xFFFFFFC0]  }
0x129: {  	v9 =	vld.idx.msk [tilespmem:v0+s5+$0x0], $0xffff  }
0x12a: {  	v10 =	vld.idx.msk [tilespmem:v1+s5+$0x0], $0xffff  }
0x12b: {  	v5 =	vld.idx.msk [tilespmem:v2+s5+$0x0], $0xffff  }
0x12c: {  	v3 =	vld.idx.msk [tilespmem:v3+s5+$0x0], $0xffff  }
0x12d: {  	s13 =	sshll.u32 s30, $0x13;
	v2 =	vld.idx.msk [tilespmem:v4+s5+$0x0], $0xffff  }
0x12e: {  	s11 =	simm.s32 $0x1C740;
	s6 =	sor.u32 s17, s13;
	v0 =	vld.idx.msk [tilespmem:v6+s5+$0x0], $0xffff  }
0x12f: {  	s31 =	sshrl.u32 s6, $0x3;
	v1 =	vld.idx.msk [tilespmem:v7+s5+$0x0], $0xffff;
	[tilespmem:s11+$0x30] =	vst v9  }
0x130: {  	s13 =	simm.s32 $0x0;
	s17 =	simm.s32 $0x18940;
	s6 =	sadd.s32 s18, s31;
	v4 =	vld.idx.msk [tilespmem:v8+s5+$0x0], $0xffff;
	[tilespmem:s11+$0xFFFFFFD0] =	vst v10  }
.LBB2_32:
0x131: {  	v6 =	vld [tilespmem:s17+$0x30];
	s13 =	sadd.s32 $0x80, s13;
	[tilespmem:s11+$0xFFFFFFE0] =	vst v5  }
0x132: {  	v5 =	vld [tilespmem:s17+$0xFFFFFFD0];
	p0 =	slt.u32 s13, $0xF80;
	[tilespmem:s11+$0xFFFFFFF0] =	vst v3  }
0x133: {  	v3 =	vld [tilespmem:s17+$0xFFFFFFE0];
	[tilespmem:s11+$0x0] =	vst v2  }
0x134: {  	v2 =	vld [tilespmem:s17+$0xFFFFFFF0];
	[tilespmem:s11+$0x10] =	vst v0  }
0x135: {  	v0 =	vld [tilespmem:s17+$0x0];
	[tilespmem:s11+$0x20] =	vst v1  }
0x136: {  	v1 =	vld [tilespmem:s17+$0x10];
	[tilespmem:s11+$0xFFFFFFC0] =	vst v4  }
0x137: {  	v4 =	vld [tilespmem:s17+$0x20]  }
0x138: {  	v7 =	vld [tilespmem:s17+$0xFFFFFFC0]  }
0x139: {  	v6 =	vld.idx.msk [tilespmem:v6+s5+$0x0], $0xffff  }
0x13a: {  	v8 =	vld.idx.msk [tilespmem:v5+s5+$0x0], $0xffff  }
0x13b: {  	v5 =	vld.idx.msk [tilespmem:v3+s5+$0x0], $0xffff  }
.Ltmp14:
0x13c: {  	v3 =	vld.idx.msk [tilespmem:v2+s5+$0x0], $0xffff;
	(pc) =	sbr.rel @p0 .LBB2_32-.Ltmp14, $4  }
0x13d: {  	v2 =	vld.idx.msk [tilespmem:v0+s5+$0x0], $0xffff  }
0x13e: {  	s11 =	sadd.s32 $0x100, s11;
	v0 =	vld.idx.msk [tilespmem:v1+s5+$0x0], $0xffff  }
0x13f: {  	v1 =	vld.idx.msk [tilespmem:v4+s5+$0x0], $0xffff;
	[tilespmem:s11+$0x30] =	vst v6  }
0x140: {  	s17 =	sadd.s32 $0x200, s17;
	v4 =	vld.idx.msk [tilespmem:v7+s5+$0x0], $0xffff;
	[tilespmem:s11+$0xFFFFFFD0] =	vst v8  }
0x141: {  	[tilespmem:s11+$0xFFFFFFE0] =	vst v5  }
0x142: {  	[tilespmem:s11+$0xFFFFFFF0] =	vst v3  }
0x143: {  	[tilespmem:s11+$0x0] =	vst v2  }
0x144: {  	[tilespmem:s11+$0x10] =	vst v0  }
0x145: {  	s13 =	simm.s32 $0x80;
	[tilespmem:s11+$0x20] =	vst v1  }
0x146: {  	s18 =	sadd.s32 $0x0, s6;
	s17 =	simm.s32 $0x1C800;
	[tilespmem:s11+$0xFFFFFFC0] =	vst v4;
	s11 =	simm.s32 $0x1C700  }
.LBB2_34:
0x147: {  	[hbm4b:s18+s5] =	stream.linear.scatter [tilespmem:s11], [sflag:$0x6], $0x80, $0x38;
	[tilespmem:$0x1E700] =	vst v63  }
0x148: {  	s18 =	smov.u32 s13;
	s11 =	smov.u32 s17;
	p0 =	sne.s32 s13, $0xF80  }
.Ltmp15:
0x149: {  	s13 =	sadd.s32 $0x80, s13;
	(pc) =	sbr.rel @p0 .LBB2_34-.Ltmp15, $2  }
0x14a: {  	_ =	sdelay $0x2  }
0x14b: {  	s17 =	sadd.s32 $0x100, s17;
	s18 =	sadd.s32 s18, s6  }
0x14c: {  	[hbm4b:s18+s5] =	stream.linear.scatter [tilespmem:s11], [sflag:$0x6], $0x80, $0x38;
	[tilespmem:$0x1E700] =	vst v63  }
0x14d: {  	s6 =	sshll.u32 s30, $0xB;
	s26 =	sshll.u32 s30, $0x4  }
0x14e: {  	s6 =	sand.u32 $0xC000, s6;
	s11 =	sand.u32 $0x70, s26  }
0x14f: {  	s6 =	sor.u32 s11, s6  }
0x150: {  	s13 =	simm.s32 $0x18800;
	s11 =	sadd.s32 s6, s10  }
0x151: {  	s17 =	simm.s32 $0x80;
	s18 =	simm.s32 $0x18A00;
	s26 =	sadd.s32 $0x0, s11  }
.LBB2_36:
0x152: {  	[tilespmem:s13], [sflag:$0x4] =	stream.linear.gather [hbm4b:s26+s5], $0x80, $0x38;
	[tilespmem:$0x1E700] =	vst v63  }
0x153: {  	s26 =	smov.u32 s17;
	s13 =	smov.u32 s18;
	p0 =	sne.s32 s17, $0xF80  }
.Ltmp16:
0x154: {  	s17 =	sadd.s32 $0x80, s17;
	(pc) =	sbr.rel @p0 .LBB2_36-.Ltmp16, $2  }
0x155: {  	_ =	sdelay $0x2  }
0x156: {  	s18 =	sadd.s32 $0x200, s18;
	s26 =	sadd.s32 s26, s11  }
0x157: {  	[tilespmem:s13], [sflag:$0x4] =	stream.linear.gather [hbm4b:s26+s5], $0x80, $0x38;
	[tilespmem:$0x1E700] =	vst v63  }
0x158: {  	_ =	swait.ge [sflag:s7], $0x1000  }
0x159: {  	[sflag:s7] =	ssyncset.done $0x0  }
0x15a: {  	[sflag:s7] =	ssyncadd.s32 $0xFFFFF000  }
0x15b: {  	_ =	swait.ge [sflag:s3], $0x1000  }
0x15c: {  	[sflag:s3] =	ssyncset.done $0x0  }
0x15d: {  	s17 =	simm.s32 $0x187F0;
	[sflag:s3] =	ssyncadd.s32 $0xFFFFF000  }
0x15e: {  	v0 =	vld [tilespmem:s17+$0x0]  }
0x15f: {  	v1 =	vld [tilespmem:s17+$0xFFFFFFA0]  }
0x160: {  	v2 =	vld [tilespmem:s17+$0xFFFFFFB0]  }
0x161: {  	v3 =	vld [tilespmem:s17+$0xFFFFFFC0]  }
0x162: {  	v4 =	vld [tilespmem:s17+$0xFFFFFFD0]  }
0x163: {  	v6 =	vld [tilespmem:s17+$0xFFFFFFE0]  }
0x164: {  	v7 =	vld [tilespmem:s17+$0xFFFFFFF0]  }
0x165: {  	v8 =	vld [tilespmem:s17+$0xFFFFFF90]  }
0x166: {  	v9 =	vld.idx.msk [tilespmem:v0+s5+$0x0], $0xffff  }
0x167: {  	v10 =	vld.idx.msk [tilespmem:v1+s5+$0x0], $0xffff  }
0x168: {  	v5 =	vld.idx.msk [tilespmem:v2+s5+$0x0], $0xffff  }
0x169: {  	v3 =	vld.idx.msk [tilespmem:v3+s5+$0x0], $0xffff  }
0x16a: {  	v2 =	vld.idx.msk [tilespmem:v4+s5+$0x0], $0xffff  }
0x16b: {  	s13 =	simm.s32 $0x1C7F0;
	v0 =	vld.idx.msk [tilespmem:v6+s5+$0x0], $0xffff  }
0x16c: {  	s11 =	rddreg [dreg:$0x6];
	v1 =	vld.idx.msk [tilespmem:v7+s5+$0x0], $0xffff;
	[tilespmem:s13+$0x0] =	vst v9  }
0x16d: {  	s18 =	simm.s32 $0x189F0;
	s11 =	sadd.s32 s31, s11;
	s17 =	simm.s32 $0x0;
	v4 =	vld.idx.msk [tilespmem:v8+s5+$0x0], $0xffff;
	[tilespmem:s13+$0xFFFFFFA0] =	vst v10  }
.LBB2_38:
0x16e: {  	v6 =	vld [tilespmem:s18+$0x0];
	s17 =	sadd.s32 $0x80, s17;
	[tilespmem:s13+$0xFFFFFFB0] =	vst v5  }
0x16f: {  	v5 =	vld [tilespmem:s18+$0xFFFFFFA0];
	p0 =	slt.u32 s17, $0xF80;
	[tilespmem:s13+$0xFFFFFFC0] =	vst v3  }
0x170: {  	v3 =	vld [tilespmem:s18+$0xFFFFFFB0];
	[tilespmem:s13+$0xFFFFFFD0] =	vst v2  }
0x171: {  	v2 =	vld [tilespmem:s18+$0xFFFFFFC0];
	[tilespmem:s13+$0xFFFFFFE0] =	vst v0  }
0x172: {  	v0 =	vld [tilespmem:s18+$0xFFFFFFD0];
	[tilespmem:s13+$0xFFFFFFF0] =	vst v1  }
0x173: {  	v1 =	vld [tilespmem:s18+$0xFFFFFFE0];
	[tilespmem:s13+$0xFFFFFF90] =	vst v4  }
0x174: {  	v4 =	vld [tilespmem:s18+$0xFFFFFFF0]  }
0x175: {  	v7 =	vld [tilespmem:s18+$0xFFFFFF90]  }
0x176: {  	v6 =	vld.idx.msk [tilespmem:v6+s5+$0x0], $0xffff  }
0x177: {  	v8 =	vld.idx.msk [tilespmem:v5+s5+$0x0], $0xffff  }
0x178: {  	v5 =	vld.idx.msk [tilespmem:v3+s5+$0x0], $0xffff  }
.Ltmp17:
0x179: {  	v3 =	vld.idx.msk [tilespmem:v2+s5+$0x0], $0xffff;
	(pc) =	sbr.rel @p0 .LBB2_38-.Ltmp17, $4  }
0x17a: {  	v2 =	vld.idx.msk [tilespmem:v0+s5+$0x0], $0xffff  }
0x17b: {  	s13 =	sadd.s32 $0x100, s13;
	v0 =	vld.idx.msk [tilespmem:v1+s5+$0x0], $0xffff  }
0x17c: {  	v1 =	vld.idx.msk [tilespmem:v4+s5+$0x0], $0xffff;
	[tilespmem:s13+$0x0] =	vst v6  }
0x17d: {  	s18 =	sadd.s32 $0x200, s18;
	v4 =	vld.idx.msk [tilespmem:v7+s5+$0x0], $0xffff;
	[tilespmem:s13+$0xFFFFFFA0] =	vst v8  }
0x17e: {  	[tilespmem:s13+$0xFFFFFFB0] =	vst v5  }
0x17f: {  	[tilespmem:s13+$0xFFFFFFC0] =	vst v3  }
0x180: {  	[tilespmem:s13+$0xFFFFFFD0] =	vst v2  }
0x181: {  	[tilespmem:s13+$0xFFFFFFE0] =	vst v0  }
0x182: {  	s17 =	simm.s32 $0x80;
	[tilespmem:s13+$0xFFFFFFF0] =	vst v1  }
0x183: {  	s26 =	sadd.s32 $0x0, s11;
	s18 =	simm.s32 $0x1C880;
	[tilespmem:s13+$0xFFFFFF90] =	vst v4;
	s13 =	simm.s32 $0x1C780  }
.LBB2_40:
0x184: {  	[hbm4b:s26+s5] =	stream.linear.scatter [tilespmem:s13], [sflag:$0x7], $0x80, $0x38;
	[tilespmem:$0x1E700] =	vst v63  }
0x185: {  	s26 =	smov.u32 s17;
	s13 =	smov.u32 s18;
	p0 =	sne.s32 s17, $0xF80  }
.Ltmp18:
0x186: {  	s17 =	sadd.s32 $0x80, s17;
	(pc) =	sbr.rel @p0 .LBB2_40-.Ltmp18, $2  }
0x187: {  	_ =	sdelay $0x2  }
0x188: {  	s18 =	sadd.s32 $0x100, s18;
	s26 =	sadd.s32 s26, s11  }
0x189: {  	[hbm4b:s26+s5] =	stream.linear.scatter [tilespmem:s13], [sflag:$0x7], $0x80, $0x38;
	[tilespmem:$0x1E700] =	vst v63  }
0x18a: {  	s6 =	sadd.s32 s6, s14;
	s11 =	simm.s32 $0x18880  }
0x18b: {  	s13 =	simm.s32 $0x80;
	s17 =	simm.s32 $0x18A80;
	s18 =	sadd.s32 $0x0, s6  }
.LBB2_42:
0x18c: {  	[tilespmem:s11], [sflag:$0x5] =	stream.linear.gather [hbm4b:s18+s5], $0x80, $0x38;
	[tilespmem:$0x1E700] =	vst v63  }
0x18d: {  	s18 =	smov.u32 s13;
	s11 =	smov.u32 s17;
	p0 =	sne.s32 s13, $0xF80  }
.Ltmp19:
0x18e: {  	s13 =	sadd.s32 $0x80, s13;
	(pc) =	sbr.rel @p0 .LBB2_42-.Ltmp19, $2  }
0x18f: {  	_ =	sdelay $0x2  }
0x190: {  	s17 =	sadd.s32 $0x200, s17;
	s18 =	sadd.s32 s18, s6  }
0x191: {  	[tilespmem:s11], [sflag:$0x5] =	stream.linear.gather [hbm4b:s18+s5], $0x80, $0x38;
	[tilespmem:$0x1E700] =	vst v63  }
0x192: {  	_ =	swait.ge [sflag:s20], $0x1000  }
0x193: {  	[sflag:s20] =	ssyncset.done $0x0  }
0x194: {  	[sflag:s20] =	ssyncadd.s32 $0xFFFFF000  }
0x195: {  	_ =	swait.ge [sflag:s25], $0x1000  }
0x196: {  	[sflag:s25] =	ssyncset.done $0x0  }
0x197: {  	s13 =	simm.s32 $0x18870;
	[sflag:s25] =	ssyncadd.s32 $0xFFFFF000  }
0x198: {  	v0 =	vld [tilespmem:s13+$0x0]  }
0x199: {  	v1 =	vld [tilespmem:s13+$0xFFFFFFA0]  }
0x19a: {  	v2 =	vld [tilespmem:s13+$0xFFFFFFB0]  }
0x19b: {  	v3 =	vld [tilespmem:s13+$0xFFFFFFC0]  }
0x19c: {  	v4 =	vld [tilespmem:s13+$0xFFFFFFD0]  }
0x19d: {  	v6 =	vld [tilespmem:s13+$0xFFFFFFE0]  }
0x19e: {  	v7 =	vld [tilespmem:s13+$0xFFFFFFF0]  }
0x19f: {  	v8 =	vld [tilespmem:s13+$0xFFFFFF90]  }
0x1a0: {  	v9 =	vld.idx.msk [tilespmem:v0+s5+$0x0], $0xffff  }
0x1a1: {  	v10 =	vld.idx.msk [tilespmem:v1+s5+$0x0], $0xffff  }
0x1a2: {  	v5 =	vld.idx.msk [tilespmem:v2+s5+$0x0], $0xffff  }
0x1a3: {  	v3 =	vld.idx.msk [tilespmem:v3+s5+$0x0], $0xffff  }
0x1a4: {  	v2 =	vld.idx.msk [tilespmem:v4+s5+$0x0], $0xffff  }
0x1a5: {  	s11 =	simm.s32 $0x1C740;
	v0 =	vld.idx.msk [tilespmem:v6+s5+$0x0], $0xffff  }
0x1a6: {  	s6 =	rddreg [dreg:$0x7];
	v1 =	vld.idx.msk [tilespmem:v7+s5+$0x0], $0xffff;
	[tilespmem:s11+$0x30] =	vst v9  }
0x1a7: {  	s17 =	simm.s32 $0x18A70;
	s6 =	sadd.s32 s31, s6;
	s13 =	simm.s32 $0x0;
	v4 =	vld.idx.msk [tilespmem:v8+s5+$0x0], $0xffff;
	[tilespmem:s11+$0xFFFFFFD0] =	vst v10  }
.LBB2_44:
0x1a8: {  	v6 =	vld [tilespmem:s17+$0x0];
	s13 =	sadd.s32 $0x80, s13;
	[tilespmem:s11+$0xFFFFFFE0] =	vst v5  }
0x1a9: {  	v5 =	vld [tilespmem:s17+$0xFFFFFFA0];
	p0 =	slt.u32 s13, $0xF80;
	[tilespmem:s11+$0xFFFFFFF0] =	vst v3  }
0x1aa: {  	v3 =	vld [tilespmem:s17+$0xFFFFFFB0];
	[tilespmem:s11+$0x0] =	vst v2  }
0x1ab: {  	v2 =	vld [tilespmem:s17+$0xFFFFFFC0];
	[tilespmem:s11+$0x10] =	vst v0  }
0x1ac: {  	v0 =	vld [tilespmem:s17+$0xFFFFFFD0];
	[tilespmem:s11+$0x20] =	vst v1  }
0x1ad: {  	v1 =	vld [tilespmem:s17+$0xFFFFFFE0];
	[tilespmem:s11+$0xFFFFFFC0] =	vst v4  }
0x1ae: {  	v4 =	vld [tilespmem:s17+$0xFFFFFFF0]  }
0x1af: {  	v7 =	vld [tilespmem:s17+$0xFFFFFF90]  }
0x1b0: {  	v6 =	vld.idx.msk [tilespmem:v6+s5+$0x0], $0xffff  }
0x1b1: {  	v8 =	vld.idx.msk [tilespmem:v5+s5+$0x0], $0xffff  }
0x1b2: {  	v5 =	vld.idx.msk [tilespmem:v3+s5+$0x0], $0xffff  }
.Ltmp20:
0x1b3: {  	v3 =	vld.idx.msk [tilespmem:v2+s5+$0x0], $0xffff;
	(pc) =	sbr.rel @p0 .LBB2_44-.Ltmp20, $4  }
0x1b4: {  	v2 =	vld.idx.msk [tilespmem:v0+s5+$0x0], $0xffff  }
0x1b5: {  	s11 =	sadd.s32 $0x100, s11;
	v0 =	vld.idx.msk [tilespmem:v1+s5+$0x0], $0xffff  }
0x1b6: {  	v1 =	vld.idx.msk [tilespmem:v4+s5+$0x0], $0xffff;
	[tilespmem:s11+$0x30] =	vst v6  }
0x1b7: {  	s17 =	sadd.s32 $0x200, s17;
	v4 =	vld.idx.msk [tilespmem:v7+s5+$0x0], $0xffff;
	[tilespmem:s11+$0xFFFFFFD0] =	vst v8  }
0x1b8: {  	[tilespmem:s11+$0xFFFFFFE0] =	vst v5  }
0x1b9: {  	[tilespmem:s11+$0xFFFFFFF0] =	vst v3  }
0x1ba: {  	[tilespmem:s11+$0x0] =	vst v2  }
0x1bb: {  	[tilespmem:s11+$0x10] =	vst v0  }
0x1bc: {  	s13 =	simm.s32 $0x80;
	[tilespmem:s11+$0x20] =	vst v1  }
0x1bd: {  	s18 =	sadd.s32 $0x0, s6;
	s17 =	simm.s32 $0x1C800;
	[tilespmem:s11+$0xFFFFFFC0] =	vst v4;
	s11 =	simm.s32 $0x1C700  }
.LBB2_46:
0x1be: {  	[hbm4b:s18+s5] =	stream.linear.scatter [tilespmem:s11], [sflag:$0x6], $0x80, $0x38;
	[tilespmem:$0x1E700] =	vst v63  }
0x1bf: {  	s18 =	smov.u32 s13;
	s11 =	smov.u32 s17;
	p0 =	sne.s32 s13, $0xF80  }
.Ltmp21:
0x1c0: {  	s13 =	sadd.s32 $0x80, s13;
	(pc) =	sbr.rel @p0 .LBB2_46-.Ltmp21, $2  }
0x1c1: {  	_ =	sdelay $0x2  }
0x1c2: {  	s17 =	sadd.s32 $0x100, s17;
	s18 =	sadd.s32 s18, s6  }
0x1c3: {  	[hbm4b:s18+s5] =	stream.linear.scatter [tilespmem:s11], [sflag:$0x6], $0x80, $0x38;
	[tilespmem:$0x1E700] =	vst v63  }
0x1c4: {  	s30 =	sadd.s32 $0x1, s30  }
0x1c5: {  	s6 =	sshll.u32 s30, $0xB;
	s26 =	sshll.u32 s30, $0x4  }
0x1c6: {  	s6 =	sand.u32 $0x1C000, s6;
	s11 =	sand.u32 $0x70, s26  }
0x1c7: {  	s6 =	sor.u32 s11, s6  }
0x1c8: {  	s13 =	simm.s32 $0x18700;
	s11 =	sadd.s32 s1, s6  }
0x1c9: {  	s17 =	simm.s32 $0x80;
	s18 =	simm.s32 $0x18900;
	s26 =	sadd.s32 $0x0, s11  }
.LBB2_48:
0x1ca: {  	[tilespmem:s13], [sflag:$0x2] =	stream.linear.gather [hbm4b:s26+s5], $0x80, $0x38;
	[tilespmem:$0x1E700] =	vst v63  }
0x1cb: {  	s26 =	smov.u32 s17;
	s13 =	smov.u32 s18;
	p0 =	sne.s32 s17, $0xF80  }
.Ltmp22:
0x1cc: {  	s17 =	sadd.s32 $0x80, s17;
	(pc) =	sbr.rel @p0 .LBB2_48-.Ltmp22, $2  }
0x1cd: {  	_ =	sdelay $0x2  }
0x1ce: {  	s18 =	sadd.s32 $0x200, s18;
	s26 =	sadd.s32 s26, s11  }
0x1cf: {  	[tilespmem:s13], [sflag:$0x2] =	stream.linear.gather [hbm4b:s26+s5], $0x80, $0x38;
	[tilespmem:$0x1E700] =	vst v63  }
0x1d0: {  	_ =	swait.ge [sflag:s2], $0x1000  }
0x1d1: {  	[sflag:s2] =	ssyncset.done $0x0  }
0x1d2: {  	[sflag:s2] =	ssyncadd.s32 $0xFFFFF000  }
0x1d3: {  	_ =	swait.ge [sflag:s3], $0x1000  }
0x1d4: {  	[sflag:s3] =	ssyncset.done $0x0  }
0x1d5: {  	s17 =	simm.s32 $0x188F0;
	[sflag:s3] =	ssyncadd.s32 $0xFFFFF000  }
0x1d6: {  	v0 =	vld [tilespmem:s17+$0x0]  }
0x1d7: {  	v1 =	vld [tilespmem:s17+$0xFFFFFFA0]  }
0x1d8: {  	v2 =	vld [tilespmem:s17+$0xFFFFFFB0]  }
0x1d9: {  	v3 =	vld [tilespmem:s17+$0xFFFFFFC0]  }
0x1da: {  	v4 =	vld [tilespmem:s17+$0xFFFFFFD0]  }
0x1db: {  	v6 =	vld [tilespmem:s17+$0xFFFFFFE0]  }
0x1dc: {  	v7 =	vld [tilespmem:s17+$0xFFFFFFF0]  }
0x1dd: {  	v8 =	vld [tilespmem:s17+$0xFFFFFF90]  }
0x1de: {  	v9 =	vld.idx.msk [tilespmem:v0+s5+$0x0], $0xffff  }
0x1df: {  	v10 =	vld.idx.msk [tilespmem:v1+s5+$0x0], $0xffff  }
0x1e0: {  	v5 =	vld.idx.msk [tilespmem:v2+s5+$0x0], $0xffff  }
0x1e1: {  	v3 =	vld.idx.msk [tilespmem:v3+s5+$0x0], $0xffff  }
0x1e2: {  	v2 =	vld.idx.msk [tilespmem:v4+s5+$0x0], $0xffff  }
0x1e3: {  	s13 =	simm.s32 $0x1C7F0;
	v0 =	vld.idx.msk [tilespmem:v6+s5+$0x0], $0xffff  }
0x1e4: {  	s11 =	rddreg [dreg:$0x8];
	v1 =	vld.idx.msk [tilespmem:v7+s5+$0x0], $0xffff;
	[tilespmem:s13+$0x0] =	vst v9  }
0x1e5: {  	s18 =	simm.s32 $0x18AF0;
	s11 =	sadd.s32 s31, s11;
	s17 =	simm.s32 $0x0;
	v4 =	vld.idx.msk [tilespmem:v8+s5+$0x0], $0xffff;
	[tilespmem:s13+$0xFFFFFFA0] =	vst v10  }
.LBB2_50:
0x1e6: {  	v6 =	vld [tilespmem:s18+$0x0];
	s17 =	sadd.s32 $0x80, s17;
	[tilespmem:s13+$0xFFFFFFB0] =	vst v5  }
0x1e7: {  	v5 =	vld [tilespmem:s18+$0xFFFFFFA0];
	p0 =	slt.u32 s17, $0xF80;
	[tilespmem:s13+$0xFFFFFFC0] =	vst v3  }
0x1e8: {  	v3 =	vld [tilespmem:s18+$0xFFFFFFB0];
	[tilespmem:s13+$0xFFFFFFD0] =	vst v2  }
0x1e9: {  	v2 =	vld [tilespmem:s18+$0xFFFFFFC0];
	[tilespmem:s13+$0xFFFFFFE0] =	vst v0  }
0x1ea: {  	v0 =	vld [tilespmem:s18+$0xFFFFFFD0];
	[tilespmem:s13+$0xFFFFFFF0] =	vst v1  }
0x1eb: {  	v1 =	vld [tilespmem:s18+$0xFFFFFFE0];
	[tilespmem:s13+$0xFFFFFF90] =	vst v4  }
0x1ec: {  	v4 =	vld [tilespmem:s18+$0xFFFFFFF0]  }
0x1ed: {  	v7 =	vld [tilespmem:s18+$0xFFFFFF90]  }
0x1ee: {  	v6 =	vld.idx.msk [tilespmem:v6+s5+$0x0], $0xffff  }
0x1ef: {  	v8 =	vld.idx.msk [tilespmem:v5+s5+$0x0], $0xffff  }
0x1f0: {  	v5 =	vld.idx.msk [tilespmem:v3+s5+$0x0], $0xffff  }
.Ltmp23:
0x1f1: {  	v3 =	vld.idx.msk [tilespmem:v2+s5+$0x0], $0xffff;
	(pc) =	sbr.rel @p0 .LBB2_50-.Ltmp23, $4  }
0x1f2: {  	v2 =	vld.idx.msk [tilespmem:v0+s5+$0x0], $0xffff  }
0x1f3: {  	s13 =	sadd.s32 $0x100, s13;
	v0 =	vld.idx.msk [tilespmem:v1+s5+$0x0], $0xffff  }
0x1f4: {  	v1 =	vld.idx.msk [tilespmem:v4+s5+$0x0], $0xffff;
	[tilespmem:s13+$0x0] =	vst v6  }
0x1f5: {  	s18 =	sadd.s32 $0x200, s18;
	v4 =	vld.idx.msk [tilespmem:v7+s5+$0x0], $0xffff;
	[tilespmem:s13+$0xFFFFFFA0] =	vst v8  }
0x1f6: {  	[tilespmem:s13+$0xFFFFFFB0] =	vst v5  }
0x1f7: {  	[tilespmem:s13+$0xFFFFFFC0] =	vst v3  }
0x1f8: {  	[tilespmem:s13+$0xFFFFFFD0] =	vst v2  }
0x1f9: {  	[tilespmem:s13+$0xFFFFFFE0] =	vst v0  }
0x1fa: {  	s17 =	simm.s32 $0x80;
	[tilespmem:s13+$0xFFFFFFF0] =	vst v1  }
0x1fb: {  	s26 =	sadd.s32 $0x0, s11;
	s18 =	simm.s32 $0x1C880;
	[tilespmem:s13+$0xFFFFFF90] =	vst v4;
	s13 =	simm.s32 $0x1C780  }
.LBB2_52:
0x1fc: {  	[hbm4b:s26+s5] =	stream.linear.scatter [tilespmem:s13], [sflag:$0x7], $0x80, $0x38;
	[tilespmem:$0x1E700] =	vst v63  }
0x1fd: {  	s26 =	smov.u32 s17;
	s13 =	smov.u32 s18;
	p0 =	sne.s32 s17, $0xF80  }
.Ltmp24:
0x1fe: {  	s17 =	sadd.s32 $0x80, s17;
	(pc) =	sbr.rel @p0 .LBB2_52-.Ltmp24, $2  }
0x1ff: {  	_ =	sdelay $0x2  }
0x200: {  	s18 =	sadd.s32 $0x100, s18;
	s26 =	sadd.s32 s26, s11  }
0x201: {  	[hbm4b:s26+s5] =	stream.linear.scatter [tilespmem:s13], [sflag:$0x7], $0x80, $0x38;
	[tilespmem:$0x1E700] =	vst v63  }
0x202: {  	s6 =	sadd.s32 s6, s8;
	s11 =	simm.s32 $0x18780  }
0x203: {  	s13 =	simm.s32 $0x80;
	s17 =	simm.s32 $0x18980;
	s18 =	sadd.s32 $0x0, s6  }
.LBB2_54:
0x204: {  	[tilespmem:s11], [sflag:$0x3] =	stream.linear.gather [hbm4b:s18+s5], $0x80, $0x38;
	[tilespmem:$0x1E700] =	vst v63  }
0x205: {  	s18 =	smov.u32 s13;
	s11 =	smov.u32 s17;
	p0 =	seq.s32 s13, $0xF80  }
.Ltmp25:
0x206: {  	s13 =	sadd.s32 $0x80, s13;
	(pc) =	sbr.rel @!p0 .LBB2_54-.Ltmp25, $2  }
0x207: {  	_ =	sdelay $0x2  }
0x208: {  	s17 =	sadd.s32 $0x200, s17;
	s18 =	sadd.s32 s18, s6  }
0x209: {  	[tilespmem:s11], [sflag:$0x3] =	stream.linear.gather [hbm4b:s18+s5], $0x80, $0x38;
	[tilespmem:$0x1E700] =	vst v63  }
0x20a: {  	p0 =	seq.s32 s30, $0x19  }
.Ltmp26:
0x20b: {  	_ = 	snop;
	(pc) =	sbr.rel @!p0 .LBB2_31-.Ltmp26, $1  }
0x20c: {  	_ =	sdelay $0x3  }
0x20d: {  	s6 =	rddreg [dreg:$0xa];
	s11 =	simm.s32 $0x80;
	s13 =	simm.s32 $0x400  }
0x20e: {  	[tilespmem:s5], [sflag:$0x1] =	stream.strided.gather [hbm4b:s6+s11], $0x18700, s13, s11, $0x38;
	[tilespmem:$0x1E700] =	vst v63  }
0x20f: {  	_ =	swait.ge [sflag:s0], $0x18700  }
0x210: {  	[sflag:s0] =	ssyncset.done $0x0  }
0x211: {  	[sflag:s0] =	ssyncadd.s32 $0xFFFE7900  }
0x212: {  	_ =	swait.ge [sflag:s4], $0x1000  }
0x213: {  	[sflag:s4] =	ssyncset.done $0x0  }
0x214: {  	[sflag:s4] =	ssyncadd.s32 $0xFFFFF000  }
0x215: {  	_ =	swait.ge [sflag:s25], $0x1000  }
0x216: {  	[sflag:s25] =	ssyncset.done $0x0  }
0x217: {  	s31 =	simm.s32 $0x18740;
	[sflag:s25] =	ssyncadd.s32 $0xFFFFF000  }
0x218: {  	v0 =	vld [tilespmem:s31+$0x30]  }
0x219: {  	v1 =	vld [tilespmem:s31+$0xFFFFFFD0]  }
0x21a: {  	v2 =	vld [tilespmem:s31+$0xFFFFFFE0]  }
0x21b: {  	v3 =	vld [tilespmem:s31+$0xFFFFFFF0]  }
0x21c: {  	v4 =	vld [tilespmem:s31+$0x0]  }
0x21d: {  	v6 =	vld [tilespmem:s31+$0x10]  }
0x21e: {  	v7 =	vld [tilespmem:s31+$0x20]  }
0x21f: {  	v8 =	vld [tilespmem:s31+$0xFFFFFFC0]  }
0x220: {  	v9 =	vld.idx.msk [tilespmem:v0+s5+$0x0], $0xffff  }
0x221: {  	v10 =	vld.idx.msk [tilespmem:v1+s5+$0x0], $0xffff  }
0x222: {  	v5 =	vld.idx.msk [tilespmem:v2+s5+$0x0], $0xffff  }
0x223: {  	v3 =	vld.idx.msk [tilespmem:v3+s5+$0x0], $0xffff  }
0x224: {  	s6 =	simm.s32 $0x1C740;
	v2 =	vld.idx.msk [tilespmem:v4+s5+$0x0], $0xffff  }
0x225: {  	v0 =	vld.idx.msk [tilespmem:v6+s5+$0x0], $0xffff;
	[tilespmem:s6+$0x30] =	vst v9  }
0x226: {  	v1 =	vld.idx.msk [tilespmem:v7+s5+$0x0], $0xffff;
	[tilespmem:s6+$0xFFFFFFD0] =	vst v10  }
0x227: {  	s11 =	simm.s32 $0x0;
	s13 =	simm.s32 $0x18940;
	v4 =	vld.idx.msk [tilespmem:v8+s5+$0x0], $0xffff;
	s18 =	rddreg [dreg:$0xc]  }
.LBB2_57:
0x228: {  	v6 =	vld [tilespmem:s13+$0x30];
	s11 =	sadd.s32 $0x80, s11;
	[tilespmem:s6+$0xFFFFFFE0] =	vst v5  }
0x229: {  	v5 =	vld [tilespmem:s13+$0xFFFFFFD0];
	p0 =	slt.u32 s11, $0xF80;
	[tilespmem:s6+$0xFFFFFFF0] =	vst v3  }
0x22a: {  	v3 =	vld [tilespmem:s13+$0xFFFFFFE0];
	[tilespmem:s6+$0x0] =	vst v2  }
0x22b: {  	v2 =	vld [tilespmem:s13+$0xFFFFFFF0];
	[tilespmem:s6+$0x10] =	vst v0  }
0x22c: {  	v0 =	vld [tilespmem:s13+$0x0];
	[tilespmem:s6+$0x20] =	vst v1  }
0x22d: {  	v1 =	vld [tilespmem:s13+$0x10];
	[tilespmem:s6+$0xFFFFFFC0] =	vst v4  }
0x22e: {  	v4 =	vld [tilespmem:s13+$0x20]  }
0x22f: {  	v7 =	vld [tilespmem:s13+$0xFFFFFFC0]  }
0x230: {  	v6 =	vld.idx.msk [tilespmem:v6+s5+$0x0], $0xffff  }
0x231: {  	v8 =	vld.idx.msk [tilespmem:v5+s5+$0x0], $0xffff  }
0x232: {  	v5 =	vld.idx.msk [tilespmem:v3+s5+$0x0], $0xffff  }
.Ltmp27:
0x233: {  	v3 =	vld.idx.msk [tilespmem:v2+s5+$0x0], $0xffff;
	(pc) =	sbr.rel @p0 .LBB2_57-.Ltmp27, $4  }
0x234: {  	v2 =	vld.idx.msk [tilespmem:v0+s5+$0x0], $0xffff  }
0x235: {  	s6 =	sadd.s32 $0x100, s6;
	v0 =	vld.idx.msk [tilespmem:v1+s5+$0x0], $0xffff  }
0x236: {  	v1 =	vld.idx.msk [tilespmem:v4+s5+$0x0], $0xffff;
	[tilespmem:s6+$0x30] =	vst v6  }
0x237: {  	s13 =	sadd.s32 $0x200, s13;
	v4 =	vld.idx.msk [tilespmem:v7+s5+$0x0], $0xffff;
	[tilespmem:s6+$0xFFFFFFD0] =	vst v8  }
0x238: {  	[tilespmem:s6+$0xFFFFFFE0] =	vst v5  }
0x239: {  	[tilespmem:s6+$0xFFFFFFF0] =	vst v3  }
0x23a: {  	[tilespmem:s6+$0x0] =	vst v2  }
0x23b: {  	[tilespmem:s6+$0x10] =	vst v0  }
0x23c: {  	s11 =	simm.s32 $0x80;
	[tilespmem:s6+$0x20] =	vst v1  }
0x23d: {  	s17 =	sadd.s32 $0x0, s21;
	s13 =	simm.s32 $0x1C800;
	[tilespmem:s6+$0xFFFFFFC0] =	vst v4;
	s6 =	simm.s32 $0x1C700  }
.LBB2_59:
0x23e: {  	[hbm4b:s17+s5] =	stream.linear.scatter [tilespmem:s6], [sflag:$0x6], $0x80, $0x38;
	[tilespmem:$0x1E700] =	vst v63  }
0x23f: {  	s17 =	smov.u32 s11;
	s6 =	smov.u32 s13;
	p0 =	sne.s32 s11, $0xF80  }
.Ltmp28:
0x240: {  	s11 =	sadd.s32 $0x80, s11;
	(pc) =	sbr.rel @p0 .LBB2_59-.Ltmp28, $2  }
0x241: {  	_ =	sdelay $0x2  }
0x242: {  	s13 =	sadd.s32 $0x100, s13;
	s17 =	sadd.s32 s17, s21  }
0x243: {  	[hbm4b:s17+s5] =	stream.linear.scatter [tilespmem:s6], [sflag:$0x6], $0x80, $0x38;
	[tilespmem:$0x1E700] =	vst v63  }
0x244: {  	s6 =	simm.s32 $0x18800  }
0x245: {  	s11 =	simm.s32 $0x80;
	s17 =	sadd.s32 $0x0, s28;
	s13 =	simm.s32 $0x18A00  }
.LBB2_61:
0x246: {  	[tilespmem:s6], [sflag:$0x4] =	stream.linear.gather [hbm4b:s17+s5], $0x80, $0x38;
	[tilespmem:$0x1E700] =	vst v63  }
0x247: {  	s17 =	smov.u32 s11;
	s6 =	smov.u32 s13;
	p0 =	sne.s32 s11, $0xF80  }
.Ltmp29:
0x248: {  	s11 =	sadd.s32 $0x80, s11;
	(pc) =	sbr.rel @p0 .LBB2_61-.Ltmp29, $2  }
0x249: {  	_ =	sdelay $0x2  }
0x24a: {  	s13 =	sadd.s32 $0x200, s13;
	s17 =	sadd.s32 s17, s28  }
0x24b: {  	[tilespmem:s6], [sflag:$0x4] =	stream.linear.gather [hbm4b:s17+s5], $0x80, $0x38;
	[tilespmem:$0x1E700] =	vst v63  }
0x24c: {  	_ =	swait.ge [sflag:s7], $0x1000  }
0x24d: {  	[sflag:s7] =	ssyncset.done $0x0  }
0x24e: {  	[sflag:s7] =	ssyncadd.s32 $0xFFFFF000  }
0x24f: {  	_ =	swait.ge [sflag:s3], $0x1000  }
0x250: {  	[sflag:s3] =	ssyncset.done $0x0  }
0x251: {  	s11 =	simm.s32 $0x187F0;
	[sflag:s3] =	ssyncadd.s32 $0xFFFFF000  }
0x252: {  	v0 =	vld [tilespmem:s11+$0x0]  }
0x253: {  	v1 =	vld [tilespmem:s11+$0xFFFFFFA0]  }
0x254: {  	v2 =	vld [tilespmem:s11+$0xFFFFFFB0]  }
0x255: {  	v3 =	vld [tilespmem:s11+$0xFFFFFFC0]  }
0x256: {  	v4 =	vld [tilespmem:s11+$0xFFFFFFD0]  }
0x257: {  	v6 =	vld [tilespmem:s11+$0xFFFFFFE0]  }
0x258: {  	v7 =	vld [tilespmem:s11+$0xFFFFFFF0]  }
0x259: {  	v8 =	vld [tilespmem:s11+$0xFFFFFF90]  }
0x25a: {  	v9 =	vld.idx.msk [tilespmem:v0+s5+$0x0], $0xffff  }
0x25b: {  	v10 =	vld.idx.msk [tilespmem:v1+s5+$0x0], $0xffff  }
0x25c: {  	v5 =	vld.idx.msk [tilespmem:v2+s5+$0x0], $0xffff  }
0x25d: {  	v3 =	vld.idx.msk [tilespmem:v3+s5+$0x0], $0xffff  }
0x25e: {  	v2 =	vld.idx.msk [tilespmem:v4+s5+$0x0], $0xffff  }
0x25f: {  	s6 =	simm.s32 $0x1C7F0;
	v0 =	vld.idx.msk [tilespmem:v6+s5+$0x0], $0xffff  }
0x260: {  	v1 =	vld.idx.msk [tilespmem:v7+s5+$0x0], $0xffff;
	[tilespmem:s6+$0x0] =	vst v9  }
0x261: {  	s13 =	simm.s32 $0x189F0;
	s11 =	simm.s32 $0x0;
	v4 =	vld.idx.msk [tilespmem:v8+s5+$0x0], $0xffff;
	[tilespmem:s6+$0xFFFFFFA0] =	vst v10  }
.LBB2_63:
0x262: {  	v6 =	vld [tilespmem:s13+$0x0];
	s11 =	sadd.s32 $0x80, s11;
	[tilespmem:s6+$0xFFFFFFB0] =	vst v5  }
0x263: {  	v5 =	vld [tilespmem:s13+$0xFFFFFFA0];
	p0 =	slt.u32 s11, $0xF80;
	[tilespmem:s6+$0xFFFFFFC0] =	vst v3  }
0x264: {  	v3 =	vld [tilespmem:s13+$0xFFFFFFB0];
	[tilespmem:s6+$0xFFFFFFD0] =	vst v2  }
0x265: {  	v2 =	vld [tilespmem:s13+$0xFFFFFFC0];
	[tilespmem:s6+$0xFFFFFFE0] =	vst v0  }
0x266: {  	v0 =	vld [tilespmem:s13+$0xFFFFFFD0];
	[tilespmem:s6+$0xFFFFFFF0] =	vst v1  }
0x267: {  	v1 =	vld [tilespmem:s13+$0xFFFFFFE0];
	[tilespmem:s6+$0xFFFFFF90] =	vst v4  }
0x268: {  	v4 =	vld [tilespmem:s13+$0xFFFFFFF0]  }
0x269: {  	v7 =	vld [tilespmem:s13+$0xFFFFFF90]  }
0x26a: {  	v6 =	vld.idx.msk [tilespmem:v6+s5+$0x0], $0xffff  }
0x26b: {  	v8 =	vld.idx.msk [tilespmem:v5+s5+$0x0], $0xffff  }
0x26c: {  	v5 =	vld.idx.msk [tilespmem:v3+s5+$0x0], $0xffff  }
.Ltmp30:
0x26d: {  	v3 =	vld.idx.msk [tilespmem:v2+s5+$0x0], $0xffff;
	(pc) =	sbr.rel @p0 .LBB2_63-.Ltmp30, $4  }
0x26e: {  	v2 =	vld.idx.msk [tilespmem:v0+s5+$0x0], $0xffff  }
0x26f: {  	s6 =	sadd.s32 $0x100, s6;
	v0 =	vld.idx.msk [tilespmem:v1+s5+$0x0], $0xffff  }
0x270: {  	v1 =	vld.idx.msk [tilespmem:v4+s5+$0x0], $0xffff;
	[tilespmem:s6+$0x0] =	vst v6  }
0x271: {  	s13 =	sadd.s32 $0x200, s13;
	v4 =	vld.idx.msk [tilespmem:v7+s5+$0x0], $0xffff;
	[tilespmem:s6+$0xFFFFFFA0] =	vst v8  }
0x272: {  	[tilespmem:s6+$0xFFFFFFB0] =	vst v5  }
0x273: {  	[tilespmem:s6+$0xFFFFFFC0] =	vst v3  }
0x274: {  	[tilespmem:s6+$0xFFFFFFD0] =	vst v2  }
0x275: {  	[tilespmem:s6+$0xFFFFFFE0] =	vst v0  }
0x276: {  	s11 =	simm.s32 $0x80;
	[tilespmem:s6+$0xFFFFFFF0] =	vst v1  }
0x277: {  	s17 =	sadd.s32 $0x0, s22;
	s13 =	simm.s32 $0x1C880;
	[tilespmem:s6+$0xFFFFFF90] =	vst v4;
	s6 =	simm.s32 $0x1C780  }
.LBB2_65:
0x278: {  	[hbm4b:s17+s5] =	stream.linear.scatter [tilespmem:s6], [sflag:$0x7], $0x80, $0x38;
	[tilespmem:$0x1E700] =	vst v63  }
0x279: {  	s17 =	smov.u32 s11;
	s6 =	smov.u32 s13;
	p0 =	sne.s32 s11, $0xF80  }
.Ltmp31:
0x27a: {  	s11 =	sadd.s32 $0x80, s11;
	(pc) =	sbr.rel @p0 .LBB2_65-.Ltmp31, $2  }
0x27b: {  	_ =	sdelay $0x2  }
0x27c: {  	s13 =	sadd.s32 $0x100, s13;
	s17 =	sadd.s32 s17, s22  }
0x27d: {  	[hbm4b:s17+s5] =	stream.linear.scatter [tilespmem:s6], [sflag:$0x7], $0x80, $0x38;
	[tilespmem:$0x1E700] =	vst v63  }
0x27e: {  	s6 =	simm.s32 $0x18880  }
0x27f: {  	s11 =	simm.s32 $0x80;
	s17 =	sadd.s32 $0x0, s29;
	s13 =	simm.s32 $0x18A80  }
.LBB2_67:
0x280: {  	[tilespmem:s6], [sflag:$0x5] =	stream.linear.gather [hbm4b:s17+s5], $0x80, $0x38;
	[tilespmem:$0x1E700] =	vst v63  }
0x281: {  	s17 =	smov.u32 s11;
	s6 =	smov.u32 s13;
	p0 =	sne.s32 s11, $0xF80  }
.Ltmp32:
0x282: {  	s11 =	sadd.s32 $0x80, s11;
	(pc) =	sbr.rel @p0 .LBB2_67-.Ltmp32, $2  }
0x283: {  	_ =	sdelay $0x2  }
0x284: {  	s13 =	sadd.s32 $0x200, s13;
	s17 =	sadd.s32 s17, s29  }
0x285: {  	[tilespmem:s6], [sflag:$0x5] =	stream.linear.gather [hbm4b:s17+s5], $0x80, $0x38;
	[tilespmem:$0x1E700] =	vst v63  }
0x286: {  	_ =	swait.ge [sflag:s20], $0x1000  }
0x287: {  	[sflag:s20] =	ssyncset.done $0x0  }
0x288: {  	[sflag:s20] =	ssyncadd.s32 $0xFFFFF000  }
0x289: {  	_ =	swait.ge [sflag:s25], $0x1000  }
0x28a: {  	[sflag:s25] =	ssyncset.done $0x0  }
0x28b: {  	s11 =	simm.s32 $0x18870;
	[sflag:s25] =	ssyncadd.s32 $0xFFFFF000  }
0x28c: {  	v0 =	vld [tilespmem:s11+$0x0]  }
0x28d: {  	v1 =	vld [tilespmem:s11+$0xFFFFFFA0]  }
0x28e: {  	v2 =	vld [tilespmem:s11+$0xFFFFFFB0]  }
0x28f: {  	v3 =	vld [tilespmem:s11+$0xFFFFFFC0]  }
0x290: {  	v4 =	vld [tilespmem:s11+$0xFFFFFFD0]  }
0x291: {  	v6 =	vld [tilespmem:s11+$0xFFFFFFE0]  }
0x292: {  	v7 =	vld [tilespmem:s11+$0xFFFFFFF0]  }
0x293: {  	v8 =	vld [tilespmem:s11+$0xFFFFFF90]  }
0x294: {  	v9 =	vld.idx.msk [tilespmem:v0+s5+$0x0], $0xffff  }
0x295: {  	v10 =	vld.idx.msk [tilespmem:v1+s5+$0x0], $0xffff  }
0x296: {  	v5 =	vld.idx.msk [tilespmem:v2+s5+$0x0], $0xffff  }
0x297: {  	v3 =	vld.idx.msk [tilespmem:v3+s5+$0x0], $0xffff  }
0x298: {  	v2 =	vld.idx.msk [tilespmem:v4+s5+$0x0], $0xffff  }
0x299: {  	s6 =	simm.s32 $0x1C740;
	v0 =	vld.idx.msk [tilespmem:v6+s5+$0x0], $0xffff  }
0x29a: {  	v1 =	vld.idx.msk [tilespmem:v7+s5+$0x0], $0xffff;
	[tilespmem:s6+$0x30] =	vst v9  }
0x29b: {  	s13 =	simm.s32 $0x18A70;
	s11 =	simm.s32 $0x0;
	v4 =	vld.idx.msk [tilespmem:v8+s5+$0x0], $0xffff;
	[tilespmem:s6+$0xFFFFFFD0] =	vst v10  }
.LBB2_69:
0x29c: {  	v6 =	vld [tilespmem:s13+$0x0];
	s11 =	sadd.s32 $0x80, s11;
	[tilespmem:s6+$0xFFFFFFE0] =	vst v5  }
0x29d: {  	v5 =	vld [tilespmem:s13+$0xFFFFFFA0];
	p0 =	slt.u32 s11, $0xF80;
	[tilespmem:s6+$0xFFFFFFF0] =	vst v3  }
0x29e: {  	v3 =	vld [tilespmem:s13+$0xFFFFFFB0];
	[tilespmem:s6+$0x0] =	vst v2  }
0x29f: {  	v2 =	vld [tilespmem:s13+$0xFFFFFFC0];
	[tilespmem:s6+$0x10] =	vst v0  }
0x2a0: {  	v0 =	vld [tilespmem:s13+$0xFFFFFFD0];
	[tilespmem:s6+$0x20] =	vst v1  }
0x2a1: {  	v1 =	vld [tilespmem:s13+$0xFFFFFFE0];
	[tilespmem:s6+$0xFFFFFFC0] =	vst v4  }
0x2a2: {  	v4 =	vld [tilespmem:s13+$0xFFFFFFF0]  }
0x2a3: {  	v7 =	vld [tilespmem:s13+$0xFFFFFF90]  }
0x2a4: {  	v6 =	vld.idx.msk [tilespmem:v6+s5+$0x0], $0xffff  }
0x2a5: {  	v8 =	vld.idx.msk [tilespmem:v5+s5+$0x0], $0xffff  }
0x2a6: {  	v5 =	vld.idx.msk [tilespmem:v3+s5+$0x0], $0xffff  }
.Ltmp33:
0x2a7: {  	v3 =	vld.idx.msk [tilespmem:v2+s5+$0x0], $0xffff;
	(pc) =	sbr.rel @p0 .LBB2_69-.Ltmp33, $4  }
0x2a8: {  	v2 =	vld.idx.msk [tilespmem:v0+s5+$0x0], $0xffff  }
0x2a9: {  	s6 =	sadd.s32 $0x100, s6;
	v0 =	vld.idx.msk [tilespmem:v1+s5+$0x0], $0xffff  }
0x2aa: {  	v1 =	vld.idx.msk [tilespmem:v4+s5+$0x0], $0xffff;
	[tilespmem:s6+$0x30] =	vst v6  }
0x2ab: {  	s13 =	sadd.s32 $0x200, s13;
	v4 =	vld.idx.msk [tilespmem:v7+s5+$0x0], $0xffff;
	[tilespmem:s6+$0xFFFFFFD0] =	vst v8  }
0x2ac: {  	[tilespmem:s6+$0xFFFFFFE0] =	vst v5  }
0x2ad: {  	[tilespmem:s6+$0xFFFFFFF0] =	vst v3  }
0x2ae: {  	[tilespmem:s6+$0x0] =	vst v2  }
0x2af: {  	[tilespmem:s6+$0x10] =	vst v0  }
0x2b0: {  	s11 =	simm.s32 $0x80;
	[tilespmem:s6+$0x20] =	vst v1  }
0x2b1: {  	s17 =	sadd.s32 $0x0, s23;
	s13 =	simm.s32 $0x1C800;
	[tilespmem:s6+$0xFFFFFFC0] =	vst v4;
	s6 =	simm.s32 $0x1C700  }
.LBB2_71:
0x2b2: {  	[hbm4b:s17+s5] =	stream.linear.scatter [tilespmem:s6], [sflag:$0x6], $0x80, $0x38;
	[tilespmem:$0x1E700] =	vst v63  }
0x2b3: {  	s17 =	smov.u32 s11;
	s6 =	smov.u32 s13;
	p0 =	sne.s32 s11, $0xF80  }
.Ltmp34:
0x2b4: {  	s11 =	sadd.s32 $0x80, s11;
	(pc) =	sbr.rel @p0 .LBB2_71-.Ltmp34, $2  }
0x2b5: {  	_ =	sdelay $0x2  }
0x2b6: {  	s13 =	sadd.s32 $0x100, s13;
	s17 =	sadd.s32 s17, s23  }
0x2b7: {  	[hbm4b:s17+s5] =	stream.linear.scatter [tilespmem:s6], [sflag:$0x6], $0x80, $0x38;
	[tilespmem:$0x1E700] =	vst v63  }
0x2b8: {  	_ =	swait.ge [sflag:s2], $0x1000  }
0x2b9: {  	[sflag:s2] =	ssyncset.done $0x0  }
0x2ba: {  	[sflag:s2] =	ssyncadd.s32 $0xFFFFF000  }
0x2bb: {  	_ =	swait.ge [sflag:s3], $0x1000  }
0x2bc: {  	[sflag:s3] =	ssyncset.done $0x0  }
0x2bd: {  	s11 =	simm.s32 $0x188F0;
	[sflag:s3] =	ssyncadd.s32 $0xFFFFF000  }
0x2be: {  	v0 =	vld [tilespmem:s11+$0x0]  }
0x2bf: {  	v1 =	vld [tilespmem:s11+$0xFFFFFFA0]  }
0x2c0: {  	v2 =	vld [tilespmem:s11+$0xFFFFFFB0]  }
0x2c1: {  	v3 =	vld [tilespmem:s11+$0xFFFFFFC0]  }
0x2c2: {  	v4 =	vld [tilespmem:s11+$0xFFFFFFD0]  }
0x2c3: {  	v6 =	vld [tilespmem:s11+$0xFFFFFFE0]  }
0x2c4: {  	v7 =	vld [tilespmem:s11+$0xFFFFFFF0]  }
0x2c5: {  	v8 =	vld [tilespmem:s11+$0xFFFFFF90]  }
0x2c6: {  	v9 =	vld.idx.msk [tilespmem:v0+s5+$0x0], $0xffff  }
0x2c7: {  	v10 =	vld.idx.msk [tilespmem:v1+s5+$0x0], $0xffff  }
0x2c8: {  	v5 =	vld.idx.msk [tilespmem:v2+s5+$0x0], $0xffff  }
0x2c9: {  	v3 =	vld.idx.msk [tilespmem:v3+s5+$0x0], $0xffff  }
0x2ca: {  	v2 =	vld.idx.msk [tilespmem:v4+s5+$0x0], $0xffff  }
0x2cb: {  	s6 =	simm.s32 $0x1C7F0;
	v0 =	vld.idx.msk [tilespmem:v6+s5+$0x0], $0xffff  }
0x2cc: {  	v1 =	vld.idx.msk [tilespmem:v7+s5+$0x0], $0xffff;
	[tilespmem:s6+$0x0] =	vst v9  }
0x2cd: {  	s13 =	simm.s32 $0x18AF0;
	s11 =	simm.s32 $0x0;
	v4 =	vld.idx.msk [tilespmem:v8+s5+$0x0], $0xffff;
	[tilespmem:s6+$0xFFFFFFA0] =	vst v10  }
.LBB2_73:
0x2ce: {  	v6 =	vld [tilespmem:s13+$0x0];
	s11 =	sadd.s32 $0x80, s11;
	[tilespmem:s6+$0xFFFFFFB0] =	vst v5  }
0x2cf: {  	v5 =	vld [tilespmem:s13+$0xFFFFFFA0];
	p0 =	slt.u32 s11, $0xF80;
	[tilespmem:s6+$0xFFFFFFC0] =	vst v3  }
0x2d0: {  	v3 =	vld [tilespmem:s13+$0xFFFFFFB0];
	[tilespmem:s6+$0xFFFFFFD0] =	vst v2  }
0x2d1: {  	v2 =	vld [tilespmem:s13+$0xFFFFFFC0];
	[tilespmem:s6+$0xFFFFFFE0] =	vst v0  }
0x2d2: {  	v0 =	vld [tilespmem:s13+$0xFFFFFFD0];
	[tilespmem:s6+$0xFFFFFFF0] =	vst v1  }
0x2d3: {  	v1 =	vld [tilespmem:s13+$0xFFFFFFE0];
	[tilespmem:s6+$0xFFFFFF90] =	vst v4  }
0x2d4: {  	v4 =	vld [tilespmem:s13+$0xFFFFFFF0]  }
0x2d5: {  	v7 =	vld [tilespmem:s13+$0xFFFFFF90]  }
0x2d6: {  	v6 =	vld.idx.msk [tilespmem:v6+s5+$0x0], $0xffff  }
0x2d7: {  	v8 =	vld.idx.msk [tilespmem:v5+s5+$0x0], $0xffff  }
0x2d8: {  	v5 =	vld.idx.msk [tilespmem:v3+s5+$0x0], $0xffff  }
.Ltmp35:
0x2d9: {  	v3 =	vld.idx.msk [tilespmem:v2+s5+$0x0], $0xffff;
	(pc) =	sbr.rel @p0 .LBB2_73-.Ltmp35, $4  }
0x2da: {  	v2 =	vld.idx.msk [tilespmem:v0+s5+$0x0], $0xffff  }
0x2db: {  	s6 =	sadd.s32 $0x100, s6;
	v0 =	vld.idx.msk [tilespmem:v1+s5+$0x0], $0xffff  }
0x2dc: {  	v1 =	vld.idx.msk [tilespmem:v4+s5+$0x0], $0xffff;
	[tilespmem:s6+$0x0] =	vst v6  }
0x2dd: {  	s13 =	sadd.s32 $0x200, s13;
	v4 =	vld.idx.msk [tilespmem:v7+s5+$0x0], $0xffff;
	[tilespmem:s6+$0xFFFFFFA0] =	vst v8  }
0x2de: {  	[tilespmem:s6+$0xFFFFFFB0] =	vst v5  }
0x2df: {  	[tilespmem:s6+$0xFFFFFFC0] =	vst v3  }
0x2e0: {  	[tilespmem:s6+$0xFFFFFFD0] =	vst v2  }
0x2e1: {  	[tilespmem:s6+$0xFFFFFFE0] =	vst v0  }
0x2e2: {  	s11 =	simm.s32 $0x80;
	[tilespmem:s6+$0xFFFFFFF0] =	vst v1  }
0x2e3: {  	s17 =	sadd.s32 $0x0, s24;
	s13 =	simm.s32 $0x1C880;
	[tilespmem:s6+$0xFFFFFF90] =	vst v4;
	s6 =	simm.s32 $0x1C780  }
.LBB2_75:
0x2e4: {  	[hbm4b:s17+s5] =	stream.linear.scatter [tilespmem:s6], [sflag:$0x7], $0x80, $0x38;
	[tilespmem:$0x1E700] =	vst v63  }
0x2e5: {  	s17 =	smov.u32 s11;
	s6 =	smov.u32 s13;
	p0 =	sne.s32 s11, $0xF80  }
.Ltmp36:
0x2e6: {  	s11 =	sadd.s32 $0x80, s11;
	(pc) =	sbr.rel @p0 .LBB2_75-.Ltmp36, $2  }
0x2e7: {  	_ =	sdelay $0x2  }
0x2e8: {  	s13 =	sadd.s32 $0x100, s13;
	s17 =	sadd.s32 s17, s24  }
0x2e9: {  	[hbm4b:s17+s5] =	stream.linear.scatter [tilespmem:s6], [sflag:$0x7], $0x80, $0x38;
	[tilespmem:$0x1E700] =	vst v63  }
0x2ea: {  	_ =	swait.ge [sflag:s25], $0x1000  }
0x2eb: {  	[sflag:s25] =	ssyncset.done $0x0  }
0x2ec: {  	[sflag:s25] =	ssyncadd.s32 $0xFFFFF000  }
0x2ed: {  	_ =	swait.ge [sflag:s3], $0x1000  }
0x2ee: {  	s11 =	rddreg [dreg:$0xd]  }
0x2ef: {  	s31 =	rddreg [dreg:$0xb];
	s11 =	sadd.s32 $0x1, s11  }
0x2f0: {  	p0 =	sne.s32 s11, s31  }
.Ltmp37:
0x2f1: {  	_ = 	snop;
	(pc) =	sbr.rel @p0 .LBB2_1-.Ltmp37, $3  }
0x2f2: {  	_ =	sdelay $0x1  }
0x2f3: {  	[sflag:s3] =	ssyncset.done $0x0  }
0x2f4: {  	[sflag:s3] =	ssyncadd.s32 $0xFFFFF000  }
0x2f5: {  	_ =	sfence.sel $0x180000  }
0x2f6: {  	[bflag:$0x0] =	sbarrier.arrive $0xFFFF  }
0x2f7: {  	_ =	strace $0x90000047  }
0x2f8: {  	s0 =	stileid.u32;
	[bflag:$0x2] =	sbarrier.arrive $0xFFFF  }
0x2f9: {  	p0 =	sne.s32 s0, $0x0;
	s0 =	rddreg [dreg:$0x3]  }
0x2fa: {  	s0 =	sadd.s32 @!p0 $0x100000, s0  }
0x2fb: {  	[sflag:s0] =	ssyncadd.tile.s32 @!p0 $0x1;
	_ =	shalt  }
.Lfunc_end2:
_tile_overlayer_lowered:
.L_overlay_start_2:
0x2fc: {  	(tag) =	ssettag $0x2  }
0x2fd: {  	s0 =	rddreg [dreg:$0x0];
	s2 =	stileid.u32  }
0x2fe: {  	s1 =	rddreg [dreg:$0x1];
	p0 =	sne.s32 s2, $0x0  }
0x2ff: {  	s3 =	rddreg [dreg:$0x2];
	[bflag:$0x3] =	sbarrier.arrive $0xFFFF;
	s2 =	simm.s32 @!p0 $0x1C08  }
0x300: {  	[timem:s3], [sflag:s2] =	dma.local @!p0 [hbm:s0], s1  }
0x301: {  	s0 =	simm.s32 @!p0 $0x8  }
0x302: {  	_ =	swait.ge @!p0 [sflag:s0], s1  }
0x303: {  	s1 =	ssub.s32 @!p0 $0x0, s1;
	[sflag:s0] =	ssyncset.done @!p0 $0x0  }
0x304: {  	[sflag:s0] =	ssyncadd.s32 @!p0 s1  }
0x305: {  	[bflag:$0x3] =	sbarrier.arrive $0xFFFF  }
0x306: {  	_ =	shalt  }

</sc_bundles>
